<compile_context>
chip_gen: v7x
topology: tpu7x:2x2x1
jax: 0.10.2.dev20260603
libtpu: 0.0.44.dev20260713+nightly
codegen_flags: <defaults>
</compile_context>

<pallas_src>
import functools

import jax
import jax.numpy as jnp
from jax import lax
from jax.experimental import pallas as pl
from jax.experimental.pallas import tpu as pltpu
from jax.experimental.pallas import tpu_sc as plsc

B, C, H, W = 16, 32, 128, 512
SLICES = B * C
SLICE_ELEMS = H * W
NUM_CORES, NUM_SUBCORES = 2, 16
NUM_WORKERS = NUM_CORES * NUM_SUBCORES
SLICES_PER_WORKER = SLICES // NUM_WORKERS

CHUNK_ROWS = 16
CHUNK_ELEMS = CHUNK_ROWS * W
CHUNKS = H // CHUNK_ROWS
NBUF = 2
GROUPS = CHUNK_ELEMS // 32
IDX_WORDS = SLICE_ELEMS // 2

XBLK_ROWS = 32
XBLKS = H // XBLK_ROWS
XBLK_NEED = [min((CHUNK_ROWS * c + 29) // XBLK_ROWS, XBLKS - 1)
             for c in range(CHUNKS)]
XBLK_LAST_READER = [min((XBLK_ROWS * (b + 1)) // CHUNK_ROWS, CHUNKS - 1)
                    for b in range(XBLKS)]


@functools.partial(
    pl.kernel,
    out_type=jax.ShapeDtypeStruct((SLICES, H, W), jnp.float32),
    mesh=plsc.VectorSubcoreMesh(core_axis_name="c", subcore_axis_name="s"),
    compiler_params=pltpu.CompilerParams(needs_layout_passes=False),
    scratch_types=[
        pltpu.VMEM((IDX_WORDS,), jnp.int32),
        pltpu.VMEM((H, W), jnp.float32),
        pltpu.VMEM((CHUNK_ROWS, W), jnp.float32),
        pltpu.VMEM((CHUNK_ROWS, W), jnp.float32),
        pltpu.SemaphoreType.DMA,
        pltpu.SemaphoreType.DMA,
        pltpu.SemaphoreType.DMA,
    ],
)
def _sc_gather(
    x_hbm, idx_hbm, out_hbm, idx_v, x_v, out_v0, out_v1, sem0, sem1, sem_x
):
    wid = lax.axis_index("s") * NUM_CORES + lax.axis_index("c")
    s0 = wid * SLICES_PER_WORKER

    def issue_block(s, b):
        pltpu.async_copy(
            x_hbm.at[s, pl.ds(b * XBLK_ROWS, XBLK_ROWS), :],
            x_v.at[pl.ds(b * XBLK_ROWS, XBLK_ROWS), :],
            sem_x,
        )

    def drain_block():
        pltpu.make_async_copy(
            x_hbm.at[0, pl.ds(0, XBLK_ROWS), :],
            x_v.at[pl.ds(0, XBLK_ROWS), :],
            sem_x,
        ).wait()

    pltpu.sync_copy(idx_hbm, idx_v)
    out_bufs = (out_v0, out_v1)
    sems = (sem0, sem1)

    for b in range(XBLKS):
        issue_block(s0, b)

    def do_slice(i, carry):
        s = s0 + i
        sn = jnp.minimum(s + 1, SLICES - 1)

        for c in range(CHUNKS):
            need = XBLK_NEED[c] + 1
            done = (XBLK_NEED[c - 1] + 1) if c else 0
            for _ in range(need - done):
                drain_block()

            buf = out_bufs[c % NBUF]
            drain_out = lambda _buf=buf, _c=c: pltpu.make_async_copy(
                _buf,
                out_hbm.at[s, pl.ds(((_c - NBUF) % CHUNKS) * CHUNK_ROWS, CHUNK_ROWS), :],
                sems[_c % NBUF],
            ).wait()
            if c < NBUF:
                pl.when(i > 0)(drain_out)
            else:
                drain_out()
            idx_base = c * (CHUNK_ELEMS // 2)

            @plsc.parallel_loop(0, GROUPS, unroll=4)
            def do_group(g, _buf=buf, _base=idx_base):
                v = idx_v[pl.ds(_base + g * 16, 16)]
                w0 = v & 0xFFFF
                w1 = lax.shift_right_logical(v, 16)
                r0 = lax.shift_right_logical(w0, 9)
                c0 = w0 & 511
                r1 = lax.shift_right_logical(w1, 9)
                c1 = w1 & 511
                a = plsc.load_gather(x_v, [r0, c0])
                b = plsc.load_gather(x_v, [r1, c1])
                ro = lax.shift_right_logical(g, 4)
                cb = (g & 15) * 32
                _buf[ro, pl.ds(cb, 16)] = a
                _buf[ro, pl.ds(cb + 16, 16)] = b

            pltpu.async_copy(
                buf,
                out_hbm.at[s, pl.ds(c * CHUNK_ROWS, CHUNK_ROWS), :],
                sems[c % NBUF],
            )

            for b in range(XBLKS):
                if XBLK_LAST_READER[b] == c:
                    issue_block(sn, b)

        return carry

    lax.fori_loop(0, SLICES_PER_WORKER, do_slice, 0)

    for c in range(CHUNKS - NBUF, CHUNKS):
        pltpu.make_async_copy(
            out_bufs[c % NBUF],
            out_hbm.at[SLICES - 1, pl.ds(c * CHUNK_ROWS, CHUNK_ROWS), :],
            sems[c % NBUF],
        ).wait()

    for b in range(XBLKS):
        drain_block()


def kernel(x, bn):
    x3 = x.reshape(SLICES, H, W)
    j = jnp.arange(W, dtype=jnp.uint32)
    flat = (bn.astype(jnp.uint32) * jnp.uint32(W) + j[None, :]).reshape(-1, 32)
    packed = flat[:, :16] | (flat[:, 16:] << jnp.uint32(16))
    packed = lax.bitcast_convert_type(packed, jnp.int32).reshape(-1)
    out3 = _sc_gather(x3, packed)
    return out3.reshape(B, C, H, W)

# --- scband reference (transcript-rebuilt; emitter-appended) ---
"""Pipeline reference for scband-dis-convolution-52243982189251 (READ-ONLY COPY).

The authoritative reference and input builder live on the scoring server;
editing this copy changes nothing except your own understanding.
"""

import jax, jax.numpy as jnp
import numpy as np
from math import cos, atan

dx = 0.00859375
f = 8
CCD_width = 5.5
ox = CCD_width / 2
CCD_length = 7.7
oy = CCD_length / 2


def _build_bn(h0=128, w0=512):
    bn = np.zeros((h0, w0), dtype=np.int32)
    for i in range(h0):
        for j in range(w0):
            a0 = atan(dx * (j - ox) / f)
            v = int(i - (cos(a0) - 1) * (i - oy))
            if v < 0:
                v = 0
            if v >= h0:
                v = h0 - 1
            bn[i, j] = v
    return bn


def setup_inputs(seed: int = 0) -> dict:
    key = jax.random.key(seed)
    x = jax.random.normal(key, (16, 32, 128, 512), dtype=jnp.float32)
    bn = jnp.asarray(_build_bn(128, 512))  # int32 [128, 512], precomputed in __init__
    return {"x": x, "bn": bn}


def reference(x, bn):
    # torch forward: for each column j, out[:, :, :, j] = x[:, :, bn[:, j], j]
    # (RHS advanced indexing in torch is evaluated before in-place write, so it is a clean gather)
    cols = jnp.arange(x.shape[3])
    out = x[:, :, bn, cols[None, :]]  # bn (128,512) and cols (1,512) broadcast -> gather
    return out

if __name__ == "__main__":
    import jax
    _d = setup_inputs()
    print(jax.jit(kernel)(*tuple(_d.values())))

</pallas_src>

<mosaic_0001>
#map = affine_map<(d0, d1) -> (0, 0, 0)>
#map1 = affine_map<(d0, d1) -> (0)>
module attributes {stable_mosaic.version = 14 : i64} {
  func.func @_sc_gather(%arg0: i32, %arg1: i32, %arg2: memref<512x128x512xf32, #tpu.memory_space<hbm>>, %arg3: memref<32768xi32, #tpu.memory_space<hbm>>, %arg4: memref<512x128x512xf32, #tpu.memory_space<hbm>>, %arg5: memref<32768xi32, #tpu.memory_space<vmem>>, %arg6: memref<128x512xf32, #tpu.memory_space<vmem>>, %arg7: memref<16x512xf32, #tpu.memory_space<vmem>>, %arg8: memref<16x512xf32, #tpu.memory_space<vmem>>, %arg9: memref<!tpu.dma_semaphore, #tpu.memory_space<semaphore_mem>>, %arg10: memref<!tpu.dma_semaphore, #tpu.memory_space<semaphore_mem>>, %arg11: memref<!tpu.dma_semaphore, #tpu.memory_space<semaphore_mem>>) attributes {dimension_semantics = [#tpu.dimension_semantics<core_parallel>, #tpu.dimension_semantics<subcore_parallel>], iteration_bounds = array<i64: 2, 16>, scalar_prefetch = 0 : i64, scratch_operands = 7 : i64, tpu.core_type = #tpu.core_type<sc_vector_subcore>, window_params = [{transform_indices = #map}, {transform_indices = #map1}, {transform_indices = #map}]} {
    %mul3A = arith.constant 2 : i32
    %mul3A_0 = arith.muli %arg1, %mul3A : i32
    %add3A = arith.addi %mul3A_0, %arg0 : i32
    %mul3A_1 = arith.constant 16 : i32
    %mul3A_2 = arith.muli %add3A, %mul3A_1 : i32
    "tpu.region"() ({
      %run_scoped3A = tpu.sem_alloc : memref<!tpu.dma_semaphore, #tpu.memory_space<semaphore_mem>>
      tpu.enqueue_dma source(%arg3 : memref<32768xi32, #tpu.memory_space<hbm>>) target(%arg5 : memref<32768xi32, #tpu.memory_space<vmem>>) target_semaphore(%run_scoped3A : memref<!tpu.dma_semaphore, #tpu.memory_space<semaphore_mem>>)
      tpu.wait_dma2 semaphore(%run_scoped3A : memref<!tpu.dma_semaphore, #tpu.memory_space<semaphore_mem>>) src(%arg3 : memref<32768xi32, #tpu.memory_space<hbm>>) dst(%arg5 : memref<32768xi32, #tpu.memory_space<vmem>>)
      tpu.yield
    }) : () -> ()
    %dma_start3A = arith.constant 0 : i32
    %dma_start3A_3 = arith.constant 0 : i32
    %dma_start3A_4 = tpu.memref_slice %arg6[%dma_start3A, %dma_start3A_3] : memref<128x512xf32, #tpu.memory_space<vmem>> -> memref<32x512xf32, #tpu.memory_space<vmem>>
    %dma_start3A_5 = arith.constant 0 : i32
    %dma_start3A_6 = arith.constant 0 : i32
    %dma_start3A_7 = tpu.memref_slice %arg2[%mul3A_2, %dma_start3A_5, %dma_start3A_6] : memref<512x128x512xf32, #tpu.memory_space<hbm>> -> memref<1x32x512xf32, #tpu.memory_space<hbm>>
    %dma_start3A_8 = tpu.memref_squeeze %dma_start3A_7 : memref<1x32x512xf32, #tpu.memory_space<hbm>> -> memref<32x512xf32, #tpu.memory_space<hbm>>
    %dma_start3A_9 = arith.constant 0 : i32
    %dma_start3A_10 = arith.constant 0 : i32
    %dma_start3A_11 = tpu.memref_slice %arg6[%dma_start3A_9, %dma_start3A_10] : memref<128x512xf32, #tpu.memory_space<vmem>> -> memref<32x512xf32, #tpu.memory_space<vmem>>
    %dma_start3A_12 = arith.constant 0 : i32
    %dma_start3A_13 = arith.constant 0 : i32
    %dma_start3A_14 = tpu.memref_slice %arg2[%mul3A_2, %dma_start3A_12, %dma_start3A_13] : memref<512x128x512xf32, #tpu.memory_space<hbm>> -> memref<1x32x512xf32, #tpu.memory_space<hbm>>
    %dma_start3A_15 = tpu.memref_squeeze %dma_start3A_14 : memref<1x32x512xf32, #tpu.memory_space<hbm>> -> memref<32x512xf32, #tpu.memory_space<hbm>>
    tpu.enqueue_dma source(%dma_start3A_15 : memref<32x512xf32, #tpu.memory_space<hbm>>) target(%dma_start3A_11 : memref<32x512xf32, #tpu.memory_space<vmem>>) target_semaphore(%arg11 : memref<!tpu.dma_semaphore, #tpu.memory_space<semaphore_mem>>)
    %dma_start3A_16 = arith.constant 32 : i32
    %dma_start3A_17 = arith.constant 0 : i32
    %dma_start3A_18 = tpu.memref_slice %arg6[%dma_start3A_16, %dma_start3A_17] : memref<128x512xf32, #tpu.memory_space<vmem>> -> memref<32x512xf32, #tpu.memory_space<vmem>>
    %dma_start3A_19 = arith.constant 32 : i32
    %dma_start3A_20 = arith.constant 0 : i32
    %dma_start3A_21 = tpu.memref_slice %arg2[%mul3A_2, %dma_start3A_19, %dma_start3A_20] : memref<512x128x512xf32, #tpu.memory_space<hbm>> -> memref<1x32x512xf32, #tpu.memory_space<hbm>>
    %dma_start3A_22 = tpu.memref_squeeze %dma_start3A_21 : memref<1x32x512xf32, #tpu.memory_space<hbm>> -> memref<32x512xf32, #tpu.memory_space<hbm>>
    %dma_start3A_23 = arith.constant 32 : i32
    %dma_start3A_24 = arith.constant 0 : i32
    %dma_start3A_25 = tpu.memref_slice %arg6[%dma_start3A_23, %dma_start3A_24] : memref<128x512xf32, #tpu.memory_space<vmem>> -> memref<32x512xf32, #tpu.memory_space<vmem>>
    %dma_start3A_26 = arith.constant 32 : i32
    %dma_start3A_27 = arith.constant 0 : i32
    %dma_start3A_28 = tpu.memref_slice %arg2[%mul3A_2, %dma_start3A_26, %dma_start3A_27] : memref<512x128x512xf32, #tpu.memory_space<hbm>> -> memref<1x32x512xf32, #tpu.memory_space<hbm>>
    %dma_start3A_29 = tpu.memref_squeeze %dma_start3A_28 : memref<1x32x512xf32, #tpu.memory_space<hbm>> -> memref<32x512xf32, #tpu.memory_space<hbm>>
    tpu.enqueue_dma source(%dma_start3A_29 : memref<32x512xf32, #tpu.memory_space<hbm>>) target(%dma_start3A_25 : memref<32x512xf32, #tpu.memory_space<vmem>>) target_semaphore(%arg11 : memref<!tpu.dma_semaphore, #tpu.memory_space<semaphore_mem>>)
    %dma_start3A_30 = arith.constant 64 : i32
    %dma_start3A_31 = arith.constant 0 : i32
    %dma_start3A_32 = tpu.memref_slice %arg6[%dma_start3A_30, %dma_start3A_31] : memref<128x512xf32, #tpu.memory_space<vmem>> -> memref<32x512xf32, #tpu.memory_space<vmem>>
    %dma_start3A_33 = arith.constant 64 : i32
    %dma_start3A_34 = arith.constant 0 : i32
    %dma_start3A_35 = tpu.memref_slice %arg2[%mul3A_2, %dma_start3A_33, %dma_start3A_34] : memref<512x128x512xf32, #tpu.memory_space<hbm>> -> memref<1x32x512xf32, #tpu.memory_space<hbm>>
    %dma_start3A_36 = tpu.memref_squeeze %dma_start3A_35 : memref<1x32x512xf32, #tpu.memory_space<hbm>> -> memref<32x512xf32, #tpu.memory_space<hbm>>
    %dma_start3A_37 = arith.constant 64 : i32
    %dma_start3A_38 = arith.constant 0 : i32
    %dma_start3A_39 = tpu.memref_slice %arg6[%dma_start3A_37, %dma_start3A_38] : memref<128x512xf32, #tpu.memory_space<vmem>> -> memref<32x512xf32, #tpu.memory_space<vmem>>
    %dma_start3A_40 = arith.constant 64 : i32
    %dma_start3A_41 = arith.constant 0 : i32
    %dma_start3A_42 = tpu.memref_slice %arg2[%mul3A_2, %dma_start3A_40, %dma_start3A_41] : memref<512x128x512xf32, #tpu.memory_space<hbm>> -> memref<1x32x512xf32, #tpu.memory_space<hbm>>
    %dma_start3A_43 = tpu.memref_squeeze %dma_start3A_42 : memref<1x32x512xf32, #tpu.memory_space<hbm>> -> memref<32x512xf32, #tpu.memory_space<hbm>>
    tpu.enqueue_dma source(%dma_start3A_43 : memref<32x512xf32, #tpu.memory_space<hbm>>) target(%dma_start3A_39 : memref<32x512xf32, #tpu.memory_space<vmem>>) target_semaphore(%arg11 : memref<!tpu.dma_semaphore, #tpu.memory_space<semaphore_mem>>)
    %dma_start3A_44 = arith.constant 96 : i32
    %dma_start3A_45 = arith.constant 0 : i32
    %dma_start3A_46 = tpu.memref_slice %arg6[%dma_start3A_44, %dma_start3A_45] : memref<128x512xf32, #tpu.memory_space<vmem>> -> memref<32x512xf32, #tpu.memory_space<vmem>>
    %dma_start3A_47 = arith.constant 96 : i32
    %dma_start3A_48 = arith.constant 0 : i32
    %dma_start3A_49 = tpu.memref_slice %arg2[%mul3A_2, %dma_start3A_47, %dma_start3A_48] : memref<512x128x512xf32, #tpu.memory_space<hbm>> -> memref<1x32x512xf32, #tpu.memory_space<hbm>>
    %dma_start3A_50 = tpu.memref_squeeze %dma_start3A_49 : memref<1x32x512xf32, #tpu.memory_space<hbm>> -> memref<32x512xf32, #tpu.memory_space<hbm>>
    %dma_start3A_51 = arith.constant 96 : i32
    %dma_start3A_52 = arith.constant 0 : i32
    %dma_start3A_53 = tpu.memref_slice %arg6[%dma_start3A_51, %dma_start3A_52] : memref<128x512xf32, #tpu.memory_space<vmem>> -> memref<32x512xf32, #tpu.memory_space<vmem>>
    %dma_start3A_54 = arith.constant 96 : i32
    %dma_start3A_55 = arith.constant 0 : i32
    %dma_start3A_56 = tpu.memref_slice %arg2[%mul3A_2, %dma_start3A_54, %dma_start3A_55] : memref<512x128x512xf32, #tpu.memory_space<hbm>> -> memref<1x32x512xf32, #tpu.memory_space<hbm>>
    %dma_start3A_57 = tpu.memref_squeeze %dma_start3A_56 : memref<1x32x512xf32, #tpu.memory_space<hbm>> -> memref<32x512xf32, #tpu.memory_space<hbm>>
    tpu.enqueue_dma source(%dma_start3A_57 : memref<32x512xf32, #tpu.memory_space<hbm>>) target(%dma_start3A_53 : memref<32x512xf32, #tpu.memory_space<vmem>>) target_semaphore(%arg11 : memref<!tpu.dma_semaphore, #tpu.memory_space<semaphore_mem>>)
    %scan3A = arith.constant 0 : i32
    %scan3A_58 = arith.constant 0 : i32
    %scan3A_59 = arith.constant 16 : i32
    %scan3A_60 = arith.addi %scan3A_58, %scan3A_59 : i32
    %scan3A_61 = arith.constant 1 : i32
    scf.for %scan3A_140 = %scan3A_58 to %scan3A_60 step %scan3A_61  : i32 {
      %add3A_141 = arith.addi %mul3A_2, %scan3A_140 : i32
      %add3A_142 = arith.constant 1 : i32
      %add3A_143 = arith.addi %add3A_141, %add3A_142 : i32
      %min3A = arith.constant 511 : i32
      %min3A_144 = arith.minsi %add3A_143, %min3A : i32
      %dma_wait3A_145 = arith.constant 0 : i32
      %dma_wait3A_146 = arith.constant 0 : i32
      %dma_wait3A_147 = arith.constant 0 : i32
      %dma_wait3A_148 = tpu.memref_slice %arg6[%dma_wait3A_146, %dma_wait3A_147] : memref<128x512xf32, #tpu.memory_space<vmem>> -> memref<32x512xf32, #tpu.memory_space<vmem>>
      %dma_wait3A_149 = arith.constant 0 : i32
      %dma_wait3A_150 = arith.constant 0 : i32
      %dma_wait3A_151 = tpu.memref_slice %arg2[%dma_wait3A_145, %dma_wait3A_149, %dma_wait3A_150] : memref<512x128x512xf32, #tpu.memory_space<hbm>> -> memref<1x32x512xf32, #tpu.memory_space<hbm>>
      %dma_wait3A_152 = tpu.memref_squeeze %dma_wait3A_151 : memref<1x32x512xf32, #tpu.memory_space<hbm>> -> memref<32x512xf32, #tpu.memory_space<hbm>>
      %dma_wait3A_153 = arith.constant 0 : i32
      %dma_wait3A_154 = arith.constant 0 : i32
      %dma_wait3A_155 = tpu.memref_slice %arg6[%dma_wait3A_153, %dma_wait3A_154] : memref<128x512xf32, #tpu.memory_space<vmem>> -> memref<32x512xf32, #tpu.memory_space<vmem>>
      %dma_wait3A_156 = arith.constant 0 : i32
      %dma_wait3A_157 = arith.constant 0 : i32
      %dma_wait3A_158 = tpu.memref_slice %arg2[%dma_wait3A_145, %dma_wait3A_156, %dma_wait3A_157] : memref<512x128x512xf32, #tpu.memory_space<hbm>> -> memref<1x32x512xf32, #tpu.memory_space<hbm>>
      %dma_wait3A_159 = tpu.memref_squeeze %dma_wait3A_158 : memref<1x32x512xf32, #tpu.memory_space<hbm>> -> memref<32x512xf32, #tpu.memory_space<hbm>>
      tpu.wait_dma2 semaphore(%arg11 : memref<!tpu.dma_semaphore, #tpu.memory_space<semaphore_mem>>) src(%dma_wait3A_159 : memref<32x512xf32, #tpu.memory_space<hbm>>) dst(%dma_wait3A_155 : memref<32x512xf32, #tpu.memory_space<vmem>>)
      %gt3A = arith.constant 0 : i32
      %gt3A_160 = arith.cmpi sgt, %scan3A_140, %gt3A : i32
      %convert_element_type3A = arith.extui %gt3A_160 : i1 to i32
      %cond3A = arith.constant 0 : i32
      %cond3A_161 = arith.cmpi ne, %convert_element_type3A, %cond3A : i32
      scf.if %cond3A_161 {
        %dma_wait3A_403 = arith.constant 96 : i32
        %dma_wait3A_404 = arith.constant 0 : i32
        %dma_wait3A_405 = tpu.memref_slice %arg4[%add3A_141, %dma_wait3A_403, %dma_wait3A_404] : memref<512x128x512xf32, #tpu.memory_space<hbm>> -> memref<1x16x512xf32, #tpu.memory_space<hbm>>
        %dma_wait3A_406 = tpu.memref_squeeze %dma_wait3A_405 : memref<1x16x512xf32, #tpu.memory_space<hbm>> -> memref<16x512xf32, #tpu.memory_space<hbm>>
        %dma_wait3A_407 = arith.constant 96 : i32
        %dma_wait3A_408 = arith.constant 0 : i32
        %dma_wait3A_409 = tpu.memref_slice %arg4[%add3A_141, %dma_wait3A_407, %dma_wait3A_408] : memref<512x128x512xf32, #tpu.memory_space<hbm>> -> memref<1x16x512xf32, #tpu.memory_space<hbm>>
        %dma_wait3A_410 = tpu.memref_squeeze %dma_wait3A_409 : memref<1x16x512xf32, #tpu.memory_space<hbm>> -> memref<16x512xf32, #tpu.memory_space<hbm>>
        tpu.wait_dma2 semaphore(%arg9 : memref<!tpu.dma_semaphore, #tpu.memory_space<semaphore_mem>>) src(%arg7 : memref<16x512xf32, #tpu.memory_space<vmem>>) dst(%dma_wait3A_410 : memref<16x512xf32, #tpu.memory_space<hbm>>)
      } else {
      }
      %parallel_loop3A = arith.constant 0 : i32
      %parallel_loop3A_162 = arith.constant 256 : i32
      %parallel_loop3A_163 = arith.constant 1 : i32
      scf.for %parallel_loop3A_403 = %parallel_loop3A to %parallel_loop3A_162 step %parallel_loop3A_163  : i32 {
        %parallel_loop3A_404 = arith.constant 16 : i32
        %parallel_loop3A_405 = arith.muli %parallel_loop3A_403, %parallel_loop3A_404 : i32
        %parallel_loop3A_406 = arith.constant 0 : i32
        %parallel_loop3A_407 = arith.addi %parallel_loop3A_406, %parallel_loop3A_405 : i32
        %parallel_loop3A_408 = arith.index_cast %parallel_loop3A_407 : i32 to index
        %parallel_loop3A_409 = tpu.vector_load %arg5[%parallel_loop3A_408] {strides = array<i32>} : memref<32768xi32, #tpu.memory_space<vmem>>, vector<16xi32>,
        %parallel_loop3A_410 = arith.constant 65535 : i32
        %parallel_loop3A_411 = vector.broadcast %parallel_loop3A_410 : i32 to vector<16xi32>
        %parallel_loop3A_412 = arith.andi %parallel_loop3A_409, %parallel_loop3A_411 : vector<16xi32>
        %parallel_loop3A_413 = arith.constant 16 : i32
        %parallel_loop3A_414 = vector.broadcast %parallel_loop3A_413 : i32 to vector<16xi32>
        %parallel_loop3A_415 = arith.shrui %parallel_loop3A_409, %parallel_loop3A_414 : vector<16xi32>
        %parallel_loop3A_416 = arith.constant 9 : i32
        %parallel_loop3A_417 = vector.broadcast %parallel_loop3A_416 : i32 to vector<16xi32>
        %parallel_loop3A_418 = arith.shrui %parallel_loop3A_412, %parallel_loop3A_417 : vector<16xi32>
        %parallel_loop3A_419 = arith.constant 511 : i32
        %parallel_loop3A_420 = vector.broadcast %parallel_loop3A_419 : i32 to vector<16xi32>
        %parallel_loop3A_421 = arith.andi %parallel_loop3A_412, %parallel_loop3A_420 : vector<16xi32>
        %parallel_loop3A_422 = arith.constant 9 : i32
        %parallel_loop3A_423 = vector.broadcast %parallel_loop3A_422 : i32 to vector<16xi32>
        %parallel_loop3A_424 = arith.shrui %parallel_loop3A_415, %parallel_loop3A_423 : vector<16xi32>
        %parallel_loop3A_425 = arith.constant 511 : i32
        %parallel_loop3A_426 = vector.broadcast %parallel_loop3A_425 : i32 to vector<16xi32>
        %parallel_loop3A_427 = arith.andi %parallel_loop3A_415, %parallel_loop3A_426 : vector<16xi32>
        %parallel_loop3A_428 = tpu.vector_load_idx %arg6[%parallel_loop3A_418, %parallel_loop3A_421] : memref<128x512xf32, #tpu.memory_space<vmem>>[vector<16xi32>, vector<16xi32>], vector<16xf32>,
        %parallel_loop3A_429 = tpu.vector_load_idx %arg6[%parallel_loop3A_424, %parallel_loop3A_427] : memref<128x512xf32, #tpu.memory_space<vmem>>[vector<16xi32>, vector<16xi32>], vector<16xf32>,
        %parallel_loop3A_430 = arith.constant 4 : i32
        %parallel_loop3A_431 = arith.shrui %parallel_loop3A_403, %parallel_loop3A_430 : i32
        %parallel_loop3A_432 = arith.constant 15 : i32
        %parallel_loop3A_433 = arith.andi %parallel_loop3A_403, %parallel_loop3A_432 : i32
        %parallel_loop3A_434 = arith.constant 32 : i32
        %parallel_loop3A_435 = arith.muli %parallel_loop3A_433, %parallel_loop3A_434 : i32
        %parallel_loop3A_436 = arith.index_cast %parallel_loop3A_431 : i32 to index
        %parallel_loop3A_437 = arith.index_cast %parallel_loop3A_435 : i32 to index
        %parallel_loop3A_438 = tpu.vector_load %arg7[%parallel_loop3A_436, %parallel_loop3A_437] {strides = array<i32>} : memref<16x512xf32, #tpu.memory_space<vmem>>, vector<16xf32>,
        tpu.vector_store %arg7[%parallel_loop3A_436, %parallel_loop3A_437], %parallel_loop3A_428 {strides = array<i32>} : memref<16x512xf32, #tpu.memory_space<vmem>>, vector<16xf32>,
        %parallel_loop3A_439 = arith.constant 16 : i32
        %parallel_loop3A_440 = arith.addi %parallel_loop3A_435, %parallel_loop3A_439 : i32
        %parallel_loop3A_441 = arith.index_cast %parallel_loop3A_431 : i32 to index
        %parallel_loop3A_442 = arith.index_cast %parallel_loop3A_440 : i32 to index
        %parallel_loop3A_443 = tpu.vector_load %arg7[%parallel_loop3A_441, %parallel_loop3A_442] {strides = array<i32>} : memref<16x512xf32, #tpu.memory_space<vmem>>, vector<16xf32>,
        tpu.vector_store %arg7[%parallel_loop3A_441, %parallel_loop3A_442], %parallel_loop3A_429 {strides = array<i32>} : memref<16x512xf32, #tpu.memory_space<vmem>>, vector<16xf32>,
      } {sc.loop_unroll_factor = 4 : i64, sc.parallel_access}
      %dma_start3A_164 = arith.constant 0 : i32
      %dma_start3A_165 = arith.constant 0 : i32
      %dma_start3A_166 = tpu.memref_slice %arg4[%add3A_141, %dma_start3A_164, %dma_start3A_165] : memref<512x128x512xf32, #tpu.memory_space<hbm>> -> memref<1x16x512xf32, #tpu.memory_space<hbm>>
      %dma_start3A_167 = tpu.memref_squeeze %dma_start3A_166 : memref<1x16x512xf32, #tpu.memory_space<hbm>> -> memref<16x512xf32, #tpu.memory_space<hbm>>
      %dma_start3A_168 = arith.constant 0 : i32
      %dma_start3A_169 = arith.constant 0 : i32
      %dma_start3A_170 = tpu.memref_slice %arg4[%add3A_141, %dma_start3A_168, %dma_start3A_169] : memref<512x128x512xf32, #tpu.memory_space<hbm>> -> memref<1x16x512xf32, #tpu.memory_space<hbm>>
      %dma_start3A_171 = tpu.memref_squeeze %dma_start3A_170 : memref<1x16x512xf32, #tpu.memory_space<hbm>> -> memref<16x512xf32, #tpu.memory_space<hbm>>
      tpu.enqueue_dma source(%arg7 : memref<16x512xf32, #tpu.memory_space<vmem>>) target(%dma_start3A_171 : memref<16x512xf32, #tpu.memory_space<hbm>>) target_semaphore(%arg9 : memref<!tpu.dma_semaphore, #tpu.memory_space<semaphore_mem>>)
      %dma_wait3A_172 = arith.constant 0 : i32
      %dma_wait3A_173 = arith.constant 0 : i32
      %dma_wait3A_174 = arith.constant 0 : i32
      %dma_wait3A_175 = tpu.memref_slice %arg6[%dma_wait3A_173, %dma_wait3A_174] : memref<128x512xf32, #tpu.memory_space<vmem>> -> memref<32x512xf32, #tpu.memory_space<vmem>>
      %dma_wait3A_176 = arith.constant 0 : i32
      %dma_wait3A_177 = arith.constant 0 : i32
      %dma_wait3A_178 = tpu.memref_slice %arg2[%dma_wait3A_172, %dma_wait3A_176, %dma_wait3A_177] : memref<512x128x512xf32, #tpu.memory_space<hbm>> -> memref<1x32x512xf32, #tpu.memory_space<hbm>>
      %dma_wait3A_179 = tpu.memref_squeeze %dma_wait3A_178 : memref<1x32x512xf32, #tpu.memory_space<hbm>> -> memref<32x512xf32, #tpu.memory_space<hbm>>
      %dma_wait3A_180 = arith.constant 0 : i32
      %dma_wait3A_181 = arith.constant 0 : i32
      %dma_wait3A_182 = tpu.memref_slice %arg6[%dma_wait3A_180, %dma_wait3A_181] : memref<128x512xf32, #tpu.memory_space<vmem>> -> memref<32x512xf32, #tpu.memory_space<vmem>>
      %dma_wait3A_183 = arith.constant 0 : i32
      %dma_wait3A_184 = arith.constant 0 : i32
      %dma_wait3A_185 = tpu.memref_slice %arg2[%dma_wait3A_172, %dma_wait3A_183, %dma_wait3A_184] : memref<512x128x512xf32, #tpu.memory_space<hbm>> -> memref<1x32x512xf32, #tpu.memory_space<hbm>>
      %dma_wait3A_186 = tpu.memref_squeeze %dma_wait3A_185 : memref<1x32x512xf32, #tpu.memory_space<hbm>> -> memref<32x512xf32, #tpu.memory_space<hbm>>
      tpu.wait_dma2 semaphore(%arg11 : memref<!tpu.dma_semaphore, #tpu.memory_space<semaphore_mem>>) src(%dma_wait3A_186 : memref<32x512xf32, #tpu.memory_space<hbm>>) dst(%dma_wait3A_182 : memref<32x512xf32, #tpu.memory_space<vmem>>)
      %gt3A_187 = arith.constant 0 : i32
      %gt3A_188 = arith.cmpi sgt, %scan3A_140, %gt3A_187 : i32
      %convert_element_type3A_189 = arith.extui %gt3A_188 : i1 to i32
      %cond3A_190 = arith.constant 0 : i32
      %cond3A_191 = arith.cmpi ne, %convert_element_type3A_189, %cond3A_190 : i32
      scf.if %cond3A_191 {
        %dma_wait3A_403 = arith.constant 112 : i32
        %dma_wait3A_404 = arith.constant 0 : i32
        %dma_wait3A_405 = tpu.memref_slice %arg4[%add3A_141, %dma_wait3A_403, %dma_wait3A_404] : memref<512x128x512xf32, #tpu.memory_space<hbm>> -> memref<1x16x512xf32, #tpu.memory_space<hbm>>
        %dma_wait3A_406 = tpu.memref_squeeze %dma_wait3A_405 : memref<1x16x512xf32, #tpu.memory_space<hbm>> -> memref<16x512xf32, #tpu.memory_space<hbm>>
        %dma_wait3A_407 = arith.constant 112 : i32
        %dma_wait3A_408 = arith.constant 0 : i32
        %dma_wait3A_409 = tpu.memref_slice %arg4[%add3A_141, %dma_wait3A_407, %dma_wait3A_408] : memref<512x128x512xf32, #tpu.memory_space<hbm>> -> memref<1x16x512xf32, #tpu.memory_space<hbm>>
        %dma_wait3A_410 = tpu.memref_squeeze %dma_wait3A_409 : memref<1x16x512xf32, #tpu.memory_space<hbm>> -> memref<16x512xf32, #tpu.memory_space<hbm>>
        tpu.wait_dma2 semaphore(%arg10 : memref<!tpu.dma_semaphore, #tpu.memory_space<semaphore_mem>>) src(%arg8 : memref<16x512xf32, #tpu.memory_space<vmem>>) dst(%dma_wait3A_410 : memref<16x512xf32, #tpu.memory_space<hbm>>)
      } else {
      }
      %parallel_loop3A_192 = arith.constant 0 : i32
      %parallel_loop3A_193 = arith.constant 256 : i32
      %parallel_loop3A_194 = arith.constant 1 : i32
      scf.for %parallel_loop3A_403 = %parallel_loop3A_192 to %parallel_loop3A_193 step %parallel_loop3A_194  : i32 {
        %parallel_loop3A_404 = arith.constant 16 : i32
        %parallel_loop3A_405 = arith.muli %parallel_loop3A_403, %parallel_loop3A_404 : i32
        %parallel_loop3A_406 = arith.constant 4096 : i32
        %parallel_loop3A_407 = arith.addi %parallel_loop3A_406, %parallel_loop3A_405 : i32
        %parallel_loop3A_408 = arith.index_cast %parallel_loop3A_407 : i32 to index
        %parallel_loop3A_409 = tpu.vector_load %arg5[%parallel_loop3A_408] {strides = array<i32>} : memref<32768xi32, #tpu.memory_space<vmem>>, vector<16xi32>,
        %parallel_loop3A_410 = arith.constant 65535 : i32
        %parallel_loop3A_411 = vector.broadcast %parallel_loop3A_410 : i32 to vector<16xi32>
        %parallel_loop3A_412 = arith.andi %parallel_loop3A_409, %parallel_loop3A_411 : vector<16xi32>
        %parallel_loop3A_413 = arith.constant 16 : i32
        %parallel_loop3A_414 = vector.broadcast %parallel_loop3A_413 : i32 to vector<16xi32>
        %parallel_loop3A_415 = arith.shrui %parallel_loop3A_409, %parallel_loop3A_414 : vector<16xi32>
        %parallel_loop3A_416 = arith.constant 9 : i32
        %parallel_loop3A_417 = vector.broadcast %parallel_loop3A_416 : i32 to vector<16xi32>
        %parallel_loop3A_418 = arith.shrui %parallel_loop3A_412, %parallel_loop3A_417 : vector<16xi32>
        %parallel_loop3A_419 = arith.constant 511 : i32
        %parallel_loop3A_420 = vector.broadcast %parallel_loop3A_419 : i32 to vector<16xi32>
        %parallel_loop3A_421 = arith.andi %parallel_loop3A_412, %parallel_loop3A_420 : vector<16xi32>
        %parallel_loop3A_422 = arith.constant 9 : i32
        %parallel_loop3A_423 = vector.broadcast %parallel_loop3A_422 : i32 to vector<16xi32>
        %parallel_loop3A_424 = arith.shrui %parallel_loop3A_415, %parallel_loop3A_423 : vector<16xi32>
        %parallel_loop3A_425 = arith.constant 511 : i32
        %parallel_loop3A_426 = vector.broadcast %parallel_loop3A_425 : i32 to vector<16xi32>
        %parallel_loop3A_427 = arith.andi %parallel_loop3A_415, %parallel_loop3A_426 : vector<16xi32>
        %parallel_loop3A_428 = tpu.vector_load_idx %arg6[%parallel_loop3A_418, %parallel_loop3A_421] : memref<128x512xf32, #tpu.memory_space<vmem>>[vector<16xi32>, vector<16xi32>], vector<16xf32>,
        %parallel_loop3A_429 = tpu.vector_load_idx %arg6[%parallel_loop3A_424, %parallel_loop3A_427] : memref<128x512xf32, #tpu.memory_space<vmem>>[vector<16xi32>, vector<16xi32>], vector<16xf32>,
        %parallel_loop3A_430 = arith.constant 4 : i32
        %parallel_loop3A_431 = arith.shrui %parallel_loop3A_403, %parallel_loop3A_430 : i32
        %parallel_loop3A_432 = arith.constant 15 : i32
        %parallel_loop3A_433 = arith.andi %parallel_loop3A_403, %parallel_loop3A_432 : i32
        %parallel_loop3A_434 = arith.constant 32 : i32
        %parallel_loop3A_435 = arith.muli %parallel_loop3A_433, %parallel_loop3A_434 : i32
        %parallel_loop3A_436 = arith.index_cast %parallel_loop3A_431 : i32 to index
        %parallel_loop3A_437 = arith.index_cast %parallel_loop3A_435 : i32 to index
        %parallel_loop3A_438 = tpu.vector_load %arg8[%parallel_loop3A_436, %parallel_loop3A_437] {strides = array<i32>} : memref<16x512xf32, #tpu.memory_space<vmem>>, vector<16xf32>,
        tpu.vector_store %arg8[%parallel_loop3A_436, %parallel_loop3A_437], %parallel_loop3A_428 {strides = array<i32>} : memref<16x512xf32, #tpu.memory_space<vmem>>, vector<16xf32>,
        %parallel_loop3A_439 = arith.constant 16 : i32
        %parallel_loop3A_440 = arith.addi %parallel_loop3A_435, %parallel_loop3A_439 : i32
        %parallel_loop3A_441 = arith.index_cast %parallel_loop3A_431 : i32 to index
        %parallel_loop3A_442 = arith.index_cast %parallel_loop3A_440 : i32 to index
        %parallel_loop3A_443 = tpu.vector_load %arg8[%parallel_loop3A_441, %parallel_loop3A_442] {strides = array<i32>} : memref<16x512xf32, #tpu.memory_space<vmem>>, vector<16xf32>,
        tpu.vector_store %arg8[%parallel_loop3A_441, %parallel_loop3A_442], %parallel_loop3A_429 {strides = array<i32>} : memref<16x512xf32, #tpu.memory_space<vmem>>, vector<16xf32>,
      } {sc.loop_unroll_factor = 4 : i64, sc.parallel_access}
      %dma_start3A_195 = arith.constant 16 : i32
      %dma_start3A_196 = arith.constant 0 : i32
      %dma_start3A_197 = tpu.memref_slice %arg4[%add3A_141, %dma_start3A_195, %dma_start3A_196] : memref<512x128x512xf32, #tpu.memory_space<hbm>> -> memref<1x16x512xf32, #tpu.memory_space<hbm>>
      %dma_start3A_198 = tpu.memref_squeeze %dma_start3A_197 : memref<1x16x512xf32, #tpu.memory_space<hbm>> -> memref<16x512xf32, #tpu.memory_space<hbm>>
      %dma_start3A_199 = arith.constant 16 : i32
      %dma_start3A_200 = arith.constant 0 : i32
      %dma_start3A_201 = tpu.memref_slice %arg4[%add3A_141, %dma_start3A_199, %dma_start3A_200] : memref<512x128x512xf32, #tpu.memory_space<hbm>> -> memref<1x16x512xf32, #tpu.memory_space<hbm>>
      %dma_start3A_202 = tpu.memref_squeeze %dma_start3A_201 : memref<1x16x512xf32, #tpu.memory_space<hbm>> -> memref<16x512xf32, #tpu.memory_space<hbm>>
      tpu.enqueue_dma source(%arg8 : memref<16x512xf32, #tpu.memory_space<vmem>>) target(%dma_start3A_202 : memref<16x512xf32, #tpu.memory_space<hbm>>) target_semaphore(%arg10 : memref<!tpu.dma_semaphore, #tpu.memory_space<semaphore_mem>>)
      %dma_wait3A_203 = arith.constant 0 : i32
      %dma_wait3A_204 = arith.constant 0 : i32
      %dma_wait3A_205 = tpu.memref_slice %arg4[%add3A_141, %dma_wait3A_203, %dma_wait3A_204] : memref<512x128x512xf32, #tpu.memory_space<hbm>> -> memref<1x16x512xf32, #tpu.memory_space<hbm>>
      %dma_wait3A_206 = tpu.memref_squeeze %dma_wait3A_205 : memref<1x16x512xf32, #tpu.memory_space<hbm>> -> memref<16x512xf32, #tpu.memory_space<hbm>>
      %dma_wait3A_207 = arith.constant 0 : i32
      %dma_wait3A_208 = arith.constant 0 : i32
      %dma_wait3A_209 = tpu.memref_slice %arg4[%add3A_141, %dma_wait3A_207, %dma_wait3A_208] : memref<512x128x512xf32, #tpu.memory_space<hbm>> -> memref<1x16x512xf32, #tpu.memory_space<hbm>>
      %dma_wait3A_210 = tpu.memref_squeeze %dma_wait3A_209 : memref<1x16x512xf32, #tpu.memory_space<hbm>> -> memref<16x512xf32, #tpu.memory_space<hbm>>
      tpu.wait_dma2 semaphore(%arg9 : memref<!tpu.dma_semaphore, #tpu.memory_space<semaphore_mem>>) src(%arg7 : memref<16x512xf32, #tpu.memory_space<vmem>>) dst(%dma_wait3A_210 : memref<16x512xf32, #tpu.memory_space<hbm>>)
      %parallel_loop3A_211 = arith.constant 0 : i32
      %parallel_loop3A_212 = arith.constant 256 : i32
      %parallel_loop3A_213 = arith.constant 1 : i32
      scf.for %parallel_loop3A_403 = %parallel_loop3A_211 to %parallel_loop3A_212 step %parallel_loop3A_213  : i32 {
        %parallel_loop3A_404 = arith.constant 16 : i32
        %parallel_loop3A_405 = arith.muli %parallel_loop3A_403, %parallel_loop3A_404 : i32
        %parallel_loop3A_406 = arith.constant 8192 : i32
        %parallel_loop3A_407 = arith.addi %parallel_loop3A_406, %parallel_loop3A_405 : i32
        %parallel_loop3A_408 = arith.index_cast %parallel_loop3A_407 : i32 to index
        %parallel_loop3A_409 = tpu.vector_load %arg5[%parallel_loop3A_408] {strides = array<i32>} : memref<32768xi32, #tpu.memory_space<vmem>>, vector<16xi32>,
        %parallel_loop3A_410 = arith.constant 65535 : i32
        %parallel_loop3A_411 = vector.broadcast %parallel_loop3A_410 : i32 to vector<16xi32>
        %parallel_loop3A_412 = arith.andi %parallel_loop3A_409, %parallel_loop3A_411 : vector<16xi32>
        %parallel_loop3A_413 = arith.constant 16 : i32
        %parallel_loop3A_414 = vector.broadcast %parallel_loop3A_413 : i32 to vector<16xi32>
        %parallel_loop3A_415 = arith.shrui %parallel_loop3A_409, %parallel_loop3A_414 : vector<16xi32>
        %parallel_loop3A_416 = arith.constant 9 : i32
        %parallel_loop3A_417 = vector.broadcast %parallel_loop3A_416 : i32 to vector<16xi32>
        %parallel_loop3A_418 = arith.shrui %parallel_loop3A_412, %parallel_loop3A_417 : vector<16xi32>
        %parallel_loop3A_419 = arith.constant 511 : i32
        %parallel_loop3A_420 = vector.broadcast %parallel_loop3A_419 : i32 to vector<16xi32>
        %parallel_loop3A_421 = arith.andi %parallel_loop3A_412, %parallel_loop3A_420 : vector<16xi32>
        %parallel_loop3A_422 = arith.constant 9 : i32
        %parallel_loop3A_423 = vector.broadcast %parallel_loop3A_422 : i32 to vector<16xi32>
        %parallel_loop3A_424 = arith.shrui %parallel_loop3A_415, %parallel_loop3A_423 : vector<16xi32>
        %parallel_loop3A_425 = arith.constant 511 : i32
        %parallel_loop3A_426 = vector.broadcast %parallel_loop3A_425 : i32 to vector<16xi32>
        %parallel_loop3A_427 = arith.andi %parallel_loop3A_415, %parallel_loop3A_426 : vector<16xi32>
        %parallel_loop3A_428 = tpu.vector_load_idx %arg6[%parallel_loop3A_418, %parallel_loop3A_421] : memref<128x512xf32, #tpu.memory_space<vmem>>[vector<16xi32>, vector<16xi32>], vector<16xf32>,
        %parallel_loop3A_429 = tpu.vector_load_idx %arg6[%parallel_loop3A_424, %parallel_loop3A_427] : memref<128x512xf32, #tpu.memory_space<vmem>>[vector<16xi32>, vector<16xi32>], vector<16xf32>,
        %parallel_loop3A_430 = arith.constant 4 : i32
        %parallel_loop3A_431 = arith.shrui %parallel_loop3A_403, %parallel_loop3A_430 : i32
        %parallel_loop3A_432 = arith.constant 15 : i32
        %parallel_loop3A_433 = arith.andi %parallel_loop3A_403, %parallel_loop3A_432 : i32
        %parallel_loop3A_434 = arith.constant 32 : i32
        %parallel_loop3A_435 = arith.muli %parallel_loop3A_433, %parallel_loop3A_434 : i32
        %parallel_loop3A_436 = arith.index_cast %parallel_loop3A_431 : i32 to index
        %parallel_loop3A_437 = arith.index_cast %parallel_loop3A_435 : i32 to index
        %parallel_loop3A_438 = tpu.vector_load %arg7[%parallel_loop3A_436, %parallel_loop3A_437] {strides = array<i32>} : memref<16x512xf32, #tpu.memory_space<vmem>>, vector<16xf32>,
        tpu.vector_store %arg7[%parallel_loop3A_436, %parallel_loop3A_437], %parallel_loop3A_428 {strides = array<i32>} : memref<16x512xf32, #tpu.memory_space<vmem>>, vector<16xf32>,
        %parallel_loop3A_439 = arith.constant 16 : i32
        %parallel_loop3A_440 = arith.addi %parallel_loop3A_435, %parallel_loop3A_439 : i32
        %parallel_loop3A_441 = arith.index_cast %parallel_loop3A_431 : i32 to index
        %parallel_loop3A_442 = arith.index_cast %parallel_loop3A_440 : i32 to index
        %parallel_loop3A_443 = tpu.vector_load %arg7[%parallel_loop3A_441, %parallel_loop3A_442] {strides = array<i32>} : memref<16x512xf32, #tpu.memory_space<vmem>>, vector<16xf32>,
        tpu.vector_store %arg7[%parallel_loop3A_441, %parallel_loop3A_442], %parallel_loop3A_429 {strides = array<i32>} : memref<16x512xf32, #tpu.memory_space<vmem>>, vector<16xf32>,
      } {sc.loop_unroll_factor = 4 : i64, sc.parallel_access}
      %dma_start3A_214 = arith.constant 32 : i32
      %dma_start3A_215 = arith.constant 0 : i32
      %dma_start3A_216 = tpu.memref_slice %arg4[%add3A_141, %dma_start3A_214, %dma_start3A_215] : memref<512x128x512xf32, #tpu.memory_space<hbm>> -> memref<1x16x512xf32, #tpu.memory_space<hbm>>
      %dma_start3A_217 = tpu.memref_squeeze %dma_start3A_216 : memref<1x16x512xf32, #tpu.memory_space<hbm>> -> memref<16x512xf32, #tpu.memory_space<hbm>>
      %dma_start3A_218 = arith.constant 32 : i32
      %dma_start3A_219 = arith.constant 0 : i32
      %dma_start3A_220 = tpu.memref_slice %arg4[%add3A_141, %dma_start3A_218, %dma_start3A_219] : memref<512x128x512xf32, #tpu.memory_space<hbm>> -> memref<1x16x512xf32, #tpu.memory_space<hbm>>
      %dma_start3A_221 = tpu.memref_squeeze %dma_start3A_220 : memref<1x16x512xf32, #tpu.memory_space<hbm>> -> memref<16x512xf32, #tpu.memory_space<hbm>>
      tpu.enqueue_dma source(%arg7 : memref<16x512xf32, #tpu.memory_space<vmem>>) target(%dma_start3A_221 : memref<16x512xf32, #tpu.memory_space<hbm>>) target_semaphore(%arg9 : memref<!tpu.dma_semaphore, #tpu.memory_space<semaphore_mem>>)
      %dma_start3A_222 = arith.constant 0 : i32
      %dma_start3A_223 = arith.constant 0 : i32
      %dma_start3A_224 = tpu.memref_slice %arg6[%dma_start3A_222, %dma_start3A_223] : memref<128x512xf32, #tpu.memory_space<vmem>> -> memref<32x512xf32, #tpu.memory_space<vmem>>
      %dma_start3A_225 = arith.constant 0 : i32
      %dma_start3A_226 = arith.constant 0 : i32
      %dma_start3A_227 = tpu.memref_slice %arg2[%min3A_144, %dma_start3A_225, %dma_start3A_226] : memref<512x128x512xf32, #tpu.memory_space<hbm>> -> memref<1x32x512xf32, #tpu.memory_space<hbm>>
      %dma_start3A_228 = tpu.memref_squeeze %dma_start3A_227 : memref<1x32x512xf32, #tpu.memory_space<hbm>> -> memref<32x512xf32, #tpu.memory_space<hbm>>
      %dma_start3A_229 = arith.constant 0 : i32
      %dma_start3A_230 = arith.constant 0 : i32
      %dma_start3A_231 = tpu.memref_slice %arg6[%dma_start3A_229, %dma_start3A_230] : memref<128x512xf32, #tpu.memory_space<vmem>> -> memref<32x512xf32, #tpu.memory_space<vmem>>
      %dma_start3A_232 = arith.constant 0 : i32
      %dma_start3A_233 = arith.constant 0 : i32
      %dma_start3A_234 = tpu.memref_slice %arg2[%min3A_144, %dma_start3A_232, %dma_start3A_233] : memref<512x128x512xf32, #tpu.memory_space<hbm>> -> memref<1x32x512xf32, #tpu.memory_space<hbm>>
      %dma_start3A_235 = tpu.memref_squeeze %dma_start3A_234 : memref<1x32x512xf32, #tpu.memory_space<hbm>> -> memref<32x512xf32, #tpu.memory_space<hbm>>
      tpu.enqueue_dma source(%dma_start3A_235 : memref<32x512xf32, #tpu.memory_space<hbm>>) target(%dma_start3A_231 : memref<32x512xf32, #tpu.memory_space<vmem>>) target_semaphore(%arg11 : memref<!tpu.dma_semaphore, #tpu.memory_space<semaphore_mem>>)
      %dma_wait3A_236 = arith.constant 0 : i32
      %dma_wait3A_237 = arith.constant 0 : i32
      %dma_wait3A_238 = arith.constant 0 : i32
      %dma_wait3A_239 = tpu.memref_slice %arg6[%dma_wait3A_237, %dma_wait3A_238] : memref<128x512xf32, #tpu.memory_space<vmem>> -> memref<32x512xf32, #tpu.memory_space<vmem>>
      %dma_wait3A_240 = arith.constant 0 : i32
      %dma_wait3A_241 = arith.constant 0 : i32
      %dma_wait3A_242 = tpu.memref_slice %arg2[%dma_wait3A_236, %dma_wait3A_240, %dma_wait3A_241] : memref<512x128x512xf32, #tpu.memory_space<hbm>> -> memref<1x32x512xf32, #tpu.memory_space<hbm>>
      %dma_wait3A_243 = tpu.memref_squeeze %dma_wait3A_242 : memref<1x32x512xf32, #tpu.memory_space<hbm>> -> memref<32x512xf32, #tpu.memory_space<hbm>>
      %dma_wait3A_244 = arith.constant 0 : i32
      %dma_wait3A_245 = arith.constant 0 : i32
      %dma_wait3A_246 = tpu.memref_slice %arg6[%dma_wait3A_244, %dma_wait3A_245] : memref<128x512xf32, #tpu.memory_space<vmem>> -> memref<32x512xf32, #tpu.memory_space<vmem>>
      %dma_wait3A_247 = arith.constant 0 : i32
      %dma_wait3A_248 = arith.constant 0 : i32
      %dma_wait3A_249 = tpu.memref_slice %arg2[%dma_wait3A_236, %dma_wait3A_247, %dma_wait3A_248] : memref<512x128x512xf32, #tpu.memory_space<hbm>> -> memref<1x32x512xf32, #tpu.memory_space<hbm>>
      %dma_wait3A_250 = tpu.memref_squeeze %dma_wait3A_249 : memref<1x32x512xf32, #tpu.memory_space<hbm>> -> memref<32x512xf32, #tpu.memory_space<hbm>>
      tpu.wait_dma2 semaphore(%arg11 : memref<!tpu.dma_semaphore, #tpu.memory_space<semaphore_mem>>) src(%dma_wait3A_250 : memref<32x512xf32, #tpu.memory_space<hbm>>) dst(%dma_wait3A_246 : memref<32x512xf32, #tpu.memory_space<vmem>>)
      %dma_wait3A_251 = arith.constant 16 : i32
      %dma_wait3A_252 = arith.constant 0 : i32
      %dma_wait3A_253 = tpu.memref_slice %arg4[%add3A_141, %dma_wait3A_251, %dma_wait3A_252] : memref<512x128x512xf32, #tpu.memory_space<hbm>> -> memref<1x16x512xf32, #tpu.memory_space<hbm>>
      %dma_wait3A_254 = tpu.memref_squeeze %dma_wait3A_253 : memref<1x16x512xf32, #tpu.memory_space<hbm>> -> memref<16x512xf32, #tpu.memory_space<hbm>>
      %dma_wait3A_255 = arith.constant 16 : i32
      %dma_wait3A_256 = arith.constant 0 : i32
      %dma_wait3A_257 = tpu.memref_slice %arg4[%add3A_141, %dma_wait3A_255, %dma_wait3A_256] : memref<512x128x512xf32, #tpu.memory_space<hbm>> -> memref<1x16x512xf32, #tpu.memory_space<hbm>>
      %dma_wait3A_258 = tpu.memref_squeeze %dma_wait3A_257 : memref<1x16x512xf32, #tpu.memory_space<hbm>> -> memref<16x512xf32, #tpu.memory_space<hbm>>
      tpu.wait_dma2 semaphore(%arg10 : memref<!tpu.dma_semaphore, #tpu.memory_space<semaphore_mem>>) src(%arg8 : memref<16x512xf32, #tpu.memory_space<vmem>>) dst(%dma_wait3A_258 : memref<16x512xf32, #tpu.memory_space<hbm>>)
      %parallel_loop3A_259 = arith.constant 0 : i32
      %parallel_loop3A_260 = arith.constant 256 : i32
      %parallel_loop3A_261 = arith.constant 1 : i32
      scf.for %parallel_loop3A_403 = %parallel_loop3A_259 to %parallel_loop3A_260 step %parallel_loop3A_261  : i32 {
        %parallel_loop3A_404 = arith.constant 16 : i32
        %parallel_loop3A_405 = arith.muli %parallel_loop3A_403, %parallel_loop3A_404 : i32
        %parallel_loop3A_406 = arith.constant 12288 : i32
        %parallel_loop3A_407 = arith.addi %parallel_loop3A_406, %parallel_loop3A_405 : i32
        %parallel_loop3A_408 = arith.index_cast %parallel_loop3A_407 : i32 to index
        %parallel_loop3A_409 = tpu.vector_load %arg5[%parallel_loop3A_408] {strides = array<i32>} : memref<32768xi32, #tpu.memory_space<vmem>>, vector<16xi32>,
        %parallel_loop3A_410 = arith.constant 65535 : i32
        %parallel_loop3A_411 = vector.broadcast %parallel_loop3A_410 : i32 to vector<16xi32>
        %parallel_loop3A_412 = arith.andi %parallel_loop3A_409, %parallel_loop3A_411 : vector<16xi32>
        %parallel_loop3A_413 = arith.constant 16 : i32
        %parallel_loop3A_414 = vector.broadcast %parallel_loop3A_413 : i32 to vector<16xi32>
        %parallel_loop3A_415 = arith.shrui %parallel_loop3A_409, %parallel_loop3A_414 : vector<16xi32>
        %parallel_loop3A_416 = arith.constant 9 : i32
        %parallel_loop3A_417 = vector.broadcast %parallel_loop3A_416 : i32 to vector<16xi32>
        %parallel_loop3A_418 = arith.shrui %parallel_loop3A_412, %parallel_loop3A_417 : vector<16xi32>
        %parallel_loop3A_419 = arith.constant 511 : i32
        %parallel_loop3A_420 = vector.broadcast %parallel_loop3A_419 : i32 to vector<16xi32>
        %parallel_loop3A_421 = arith.andi %parallel_loop3A_412, %parallel_loop3A_420 : vector<16xi32>
        %parallel_loop3A_422 = arith.constant 9 : i32
        %parallel_loop3A_423 = vector.broadcast %parallel_loop3A_422 : i32 to vector<16xi32>
        %parallel_loop3A_424 = arith.shrui %parallel_loop3A_415, %parallel_loop3A_423 : vector<16xi32>
        %parallel_loop3A_425 = arith.constant 511 : i32
        %parallel_loop3A_426 = vector.broadcast %parallel_loop3A_425 : i32 to vector<16xi32>
        %parallel_loop3A_427 = arith.andi %parallel_loop3A_415, %parallel_loop3A_426 : vector<16xi32>
        %parallel_loop3A_428 = tpu.vector_load_idx %arg6[%parallel_loop3A_418, %parallel_loop3A_421] : memref<128x512xf32, #tpu.memory_space<vmem>>[vector<16xi32>, vector<16xi32>], vector<16xf32>,
        %parallel_loop3A_429 = tpu.vector_load_idx %arg6[%parallel_loop3A_424, %parallel_loop3A_427] : memref<128x512xf32, #tpu.memory_space<vmem>>[vector<16xi32>, vector<16xi32>], vector<16xf32>,
        %parallel_loop3A_430 = arith.constant 4 : i32
        %parallel_loop3A_431 = arith.shrui %parallel_loop3A_403, %parallel_loop3A_430 : i32
        %parallel_loop3A_432 = arith.constant 15 : i32
        %parallel_loop3A_433 = arith.andi %parallel_loop3A_403, %parallel_loop3A_432 : i32
        %parallel_loop3A_434 = arith.constant 32 : i32
        %parallel_loop3A_435 = arith.muli %parallel_loop3A_433, %parallel_loop3A_434 : i32
        %parallel_loop3A_436 = arith.index_cast %parallel_loop3A_431 : i32 to index
        %parallel_loop3A_437 = arith.index_cast %parallel_loop3A_435 : i32 to index
        %parallel_loop3A_438 = tpu.vector_load %arg8[%parallel_loop3A_436, %parallel_loop3A_437] {strides = array<i32>} : memref<16x512xf32, #tpu.memory_space<vmem>>, vector<16xf32>,
        tpu.vector_store %arg8[%parallel_loop3A_436, %parallel_loop3A_437], %parallel_loop3A_428 {strides = array<i32>} : memref<16x512xf32, #tpu.memory_space<vmem>>, vector<16xf32>,
        %parallel_loop3A_439 = arith.constant 16 : i32
        %parallel_loop3A_440 = arith.addi %parallel_loop3A_435, %parallel_loop3A_439 : i32
        %parallel_loop3A_441 = arith.index_cast %parallel_loop3A_431 : i32 to index
        %parallel_loop3A_442 = arith.index_cast %parallel_loop3A_440 : i32 to index
        %parallel_loop3A_443 = tpu.vector_load %arg8[%parallel_loop3A_441, %parallel_loop3A_442] {strides = array<i32>} : memref<16x512xf32, #tpu.memory_space<vmem>>, vector<16xf32>,
        tpu.vector_store %arg8[%parallel_loop3A_441, %parallel_loop3A_442], %parallel_loop3A_429 {strides = array<i32>} : memref<16x512xf32, #tpu.memory_space<vmem>>, vector<16xf32>,
      } {sc.loop_unroll_factor = 4 : i64, sc.parallel_access}
      %dma_start3A_262 = arith.constant 48 : i32
      %dma_start3A_263 = arith.constant 0 : i32
      %dma_start3A_264 = tpu.memref_slice %arg4[%add3A_141, %dma_start3A_262, %dma_start3A_263] : memref<512x128x512xf32, #tpu.memory_space<hbm>> -> memref<1x16x512xf32, #tpu.memory_space<hbm>>
      %dma_start3A_265 = tpu.memref_squeeze %dma_start3A_264 : memref<1x16x512xf32, #tpu.memory_space<hbm>> -> memref<16x512xf32, #tpu.memory_space<hbm>>
      %dma_start3A_266 = arith.constant 48 : i32
      %dma_start3A_267 = arith.constant 0 : i32
      %dma_start3A_268 = tpu.memref_slice %arg4[%add3A_141, %dma_start3A_266, %dma_start3A_267] : memref<512x128x512xf32, #tpu.memory_space<hbm>> -> memref<1x16x512xf32, #tpu.memory_space<hbm>>
      %dma_start3A_269 = tpu.memref_squeeze %dma_start3A_268 : memref<1x16x512xf32, #tpu.memory_space<hbm>> -> memref<16x512xf32, #tpu.memory_space<hbm>>
      tpu.enqueue_dma source(%arg8 : memref<16x512xf32, #tpu.memory_space<vmem>>) target(%dma_start3A_269 : memref<16x512xf32, #tpu.memory_space<hbm>>) target_semaphore(%arg10 : memref<!tpu.dma_semaphore, #tpu.memory_space<semaphore_mem>>)
      %dma_wait3A_270 = arith.constant 32 : i32
      %dma_wait3A_271 = arith.constant 0 : i32
      %dma_wait3A_272 = tpu.memref_slice %arg4[%add3A_141, %dma_wait3A_270, %dma_wait3A_271] : memref<512x128x512xf32, #tpu.memory_space<hbm>> -> memref<1x16x512xf32, #tpu.memory_space<hbm>>
      %dma_wait3A_273 = tpu.memref_squeeze %dma_wait3A_272 : memref<1x16x512xf32, #tpu.memory_space<hbm>> -> memref<16x512xf32, #tpu.memory_space<hbm>>
      %dma_wait3A_274 = arith.constant 32 : i32
      %dma_wait3A_275 = arith.constant 0 : i32
      %dma_wait3A_276 = tpu.memref_slice %arg4[%add3A_141, %dma_wait3A_274, %dma_wait3A_275] : memref<512x128x512xf32, #tpu.memory_space<hbm>> -> memref<1x16x512xf32, #tpu.memory_space<hbm>>
      %dma_wait3A_277 = tpu.memref_squeeze %dma_wait3A_276 : memref<1x16x512xf32, #tpu.memory_space<hbm>> -> memref<16x512xf32, #tpu.memory_space<hbm>>
      tpu.wait_dma2 semaphore(%arg9 : memref<!tpu.dma_semaphore, #tpu.memory_space<semaphore_mem>>) src(%arg7 : memref<16x512xf32, #tpu.memory_space<vmem>>) dst(%dma_wait3A_277 : memref<16x512xf32, #tpu.memory_space<hbm>>)
      %parallel_loop3A_278 = arith.constant 0 : i32
      %parallel_loop3A_279 = arith.constant 256 : i32
      %parallel_loop3A_280 = arith.constant 1 : i32
      scf.for %parallel_loop3A_403 = %parallel_loop3A_278 to %parallel_loop3A_279 step %parallel_loop3A_280  : i32 {
        %parallel_loop3A_404 = arith.constant 16 : i32
        %parallel_loop3A_405 = arith.muli %parallel_loop3A_403, %parallel_loop3A_404 : i32
        %parallel_loop3A_406 = arith.constant 16384 : i32
        %parallel_loop3A_407 = arith.addi %parallel_loop3A_406, %parallel_loop3A_405 : i32
        %parallel_loop3A_408 = arith.index_cast %parallel_loop3A_407 : i32 to index
        %parallel_loop3A_409 = tpu.vector_load %arg5[%parallel_loop3A_408] {strides = array<i32>} : memref<32768xi32, #tpu.memory_space<vmem>>, vector<16xi32>,
        %parallel_loop3A_410 = arith.constant 65535 : i32
        %parallel_loop3A_411 = vector.broadcast %parallel_loop3A_410 : i32 to vector<16xi32>
        %parallel_loop3A_412 = arith.andi %parallel_loop3A_409, %parallel_loop3A_411 : vector<16xi32>
        %parallel_loop3A_413 = arith.constant 16 : i32
        %parallel_loop3A_414 = vector.broadcast %parallel_loop3A_413 : i32 to vector<16xi32>
        %parallel_loop3A_415 = arith.shrui %parallel_loop3A_409, %parallel_loop3A_414 : vector<16xi32>
        %parallel_loop3A_416 = arith.constant 9 : i32
        %parallel_loop3A_417 = vector.broadcast %parallel_loop3A_416 : i32 to vector<16xi32>
        %parallel_loop3A_418 = arith.shrui %parallel_loop3A_412, %parallel_loop3A_417 : vector<16xi32>
        %parallel_loop3A_419 = arith.constant 511 : i32
        %parallel_loop3A_420 = vector.broadcast %parallel_loop3A_419 : i32 to vector<16xi32>
        %parallel_loop3A_421 = arith.andi %parallel_loop3A_412, %parallel_loop3A_420 : vector<16xi32>
        %parallel_loop3A_422 = arith.constant 9 : i32
        %parallel_loop3A_423 = vector.broadcast %parallel_loop3A_422 : i32 to vector<16xi32>
        %parallel_loop3A_424 = arith.shrui %parallel_loop3A_415, %parallel_loop3A_423 : vector<16xi32>
        %parallel_loop3A_425 = arith.constant 511 : i32
        %parallel_loop3A_426 = vector.broadcast %parallel_loop3A_425 : i32 to vector<16xi32>
        %parallel_loop3A_427 = arith.andi %parallel_loop3A_415, %parallel_loop3A_426 : vector<16xi32>
        %parallel_loop3A_428 = tpu.vector_load_idx %arg6[%parallel_loop3A_418, %parallel_loop3A_421] : memref<128x512xf32, #tpu.memory_space<vmem>>[vector<16xi32>, vector<16xi32>], vector<16xf32>,
        %parallel_loop3A_429 = tpu.vector_load_idx %arg6[%parallel_loop3A_424, %parallel_loop3A_427] : memref<128x512xf32, #tpu.memory_space<vmem>>[vector<16xi32>, vector<16xi32>], vector<16xf32>,
        %parallel_loop3A_430 = arith.constant 4 : i32
        %parallel_loop3A_431 = arith.shrui %parallel_loop3A_403, %parallel_loop3A_430 : i32
        %parallel_loop3A_432 = arith.constant 15 : i32
        %parallel_loop3A_433 = arith.andi %parallel_loop3A_403, %parallel_loop3A_432 : i32
        %parallel_loop3A_434 = arith.constant 32 : i32
        %parallel_loop3A_435 = arith.muli %parallel_loop3A_433, %parallel_loop3A_434 : i32
        %parallel_loop3A_436 = arith.index_cast %parallel_loop3A_431 : i32 to index
        %parallel_loop3A_437 = arith.index_cast %parallel_loop3A_435 : i32 to index
        %parallel_loop3A_438 = tpu.vector_load %arg7[%parallel_loop3A_436, %parallel_loop3A_437] {strides = array<i32>} : memref<16x512xf32, #tpu.memory_space<vmem>>, vector<16xf32>,
        tpu.vector_store %arg7[%parallel_loop3A_436, %parallel_loop3A_437], %parallel_loop3A_428 {strides = array<i32>} : memref<16x512xf32, #tpu.memory_space<vmem>>, vector<16xf32>,
        %parallel_loop3A_439 = arith.constant 16 : i32
        %parallel_loop3A_440 = arith.addi %parallel_loop3A_435, %parallel_loop3A_439 : i32
        %parallel_loop3A_441 = arith.index_cast %parallel_loop3A_431 : i32 to index
        %parallel_loop3A_442 = arith.index_cast %parallel_loop3A_440 : i32 to index
        %parallel_loop3A_443 = tpu.vector_load %arg7[%parallel_loop3A_441, %parallel_loop3A_442] {strides = array<i32>} : memref<16x512xf32, #tpu.memory_space<vmem>>, vector<16xf32>,
        tpu.vector_store %arg7[%parallel_loop3A_441, %parallel_loop3A_442], %parallel_loop3A_429 {strides = array<i32>} : memref<16x512xf32, #tpu.memory_space<vmem>>, vector<16xf32>,
      } {sc.loop_unroll_factor = 4 : i64, sc.parallel_access}
      %dma_start3A_281 = arith.constant 64 : i32
      %dma_start3A_282 = arith.constant 0 : i32
      %dma_start3A_283 = tpu.memref_slice %arg4[%add3A_141, %dma_start3A_281, %dma_start3A_282] : memref<512x128x512xf32, #tpu.memory_space<hbm>> -> memref<1x16x512xf32, #tpu.memory_space<hbm>>
      %dma_start3A_284 = tpu.memref_squeeze %dma_start3A_283 : memref<1x16x512xf32, #tpu.memory_space<hbm>> -> memref<16x512xf32, #tpu.memory_space<hbm>>
      %dma_start3A_285 = arith.constant 64 : i32
      %dma_start3A_286 = arith.constant 0 : i32
      %dma_start3A_287 = tpu.memref_slice %arg4[%add3A_141, %dma_start3A_285, %dma_start3A_286] : memref<512x128x512xf32, #tpu.memory_space<hbm>> -> memref<1x16x512xf32, #tpu.memory_space<hbm>>
      %dma_start3A_288 = tpu.memref_squeeze %dma_start3A_287 : memref<1x16x512xf32, #tpu.memory_space<hbm>> -> memref<16x512xf32, #tpu.memory_space<hbm>>
      tpu.enqueue_dma source(%arg7 : memref<16x512xf32, #tpu.memory_space<vmem>>) target(%dma_start3A_288 : memref<16x512xf32, #tpu.memory_space<hbm>>) target_semaphore(%arg9 : memref<!tpu.dma_semaphore, #tpu.memory_space<semaphore_mem>>)
      %dma_start3A_289 = arith.constant 32 : i32
      %dma_start3A_290 = arith.constant 0 : i32
      %dma_start3A_291 = tpu.memref_slice %arg6[%dma_start3A_289, %dma_start3A_290] : memref<128x512xf32, #tpu.memory_space<vmem>> -> memref<32x512xf32, #tpu.memory_space<vmem>>
      %dma_start3A_292 = arith.constant 32 : i32
      %dma_start3A_293 = arith.constant 0 : i32
      %dma_start3A_294 = tpu.memref_slice %arg2[%min3A_144, %dma_start3A_292, %dma_start3A_293] : memref<512x128x512xf32, #tpu.memory_space<hbm>> -> memref<1x32x512xf32, #tpu.memory_space<hbm>>
      %dma_start3A_295 = tpu.memref_squeeze %dma_start3A_294 : memref<1x32x512xf32, #tpu.memory_space<hbm>> -> memref<32x512xf32, #tpu.memory_space<hbm>>
      %dma_start3A_296 = arith.constant 32 : i32
      %dma_start3A_297 = arith.constant 0 : i32
      %dma_start3A_298 = tpu.memref_slice %arg6[%dma_start3A_296, %dma_start3A_297] : memref<128x512xf32, #tpu.memory_space<vmem>> -> memref<32x512xf32, #tpu.memory_space<vmem>>
      %dma_start3A_299 = arith.constant 32 : i32
      %dma_start3A_300 = arith.constant 0 : i32
      %dma_start3A_301 = tpu.memref_slice %arg2[%min3A_144, %dma_start3A_299, %dma_start3A_300] : memref<512x128x512xf32, #tpu.memory_space<hbm>> -> memref<1x32x512xf32, #tpu.memory_space<hbm>>
      %dma_start3A_302 = tpu.memref_squeeze %dma_start3A_301 : memref<1x32x512xf32, #tpu.memory_space<hbm>> -> memref<32x512xf32, #tpu.memory_space<hbm>>
      tpu.enqueue_dma source(%dma_start3A_302 : memref<32x512xf32, #tpu.memory_space<hbm>>) target(%dma_start3A_298 : memref<32x512xf32, #tpu.memory_space<vmem>>) target_semaphore(%arg11 : memref<!tpu.dma_semaphore, #tpu.memory_space<semaphore_mem>>)
      %dma_wait3A_303 = arith.constant 0 : i32
      %dma_wait3A_304 = arith.constant 0 : i32
      %dma_wait3A_305 = arith.constant 0 : i32
      %dma_wait3A_306 = tpu.memref_slice %arg6[%dma_wait3A_304, %dma_wait3A_305] : memref<128x512xf32, #tpu.memory_space<vmem>> -> memref<32x512xf32, #tpu.memory_space<vmem>>
      %dma_wait3A_307 = arith.constant 0 : i32
      %dma_wait3A_308 = arith.constant 0 : i32
      %dma_wait3A_309 = tpu.memref_slice %arg2[%dma_wait3A_303, %dma_wait3A_307, %dma_wait3A_308] : memref<512x128x512xf32, #tpu.memory_space<hbm>> -> memref<1x32x512xf32, #tpu.memory_space<hbm>>
      %dma_wait3A_310 = tpu.memref_squeeze %dma_wait3A_309 : memref<1x32x512xf32, #tpu.memory_space<hbm>> -> memref<32x512xf32, #tpu.memory_space<hbm>>
      %dma_wait3A_311 = arith.constant 0 : i32
      %dma_wait3A_312 = arith.constant 0 : i32
      %dma_wait3A_313 = tpu.memref_slice %arg6[%dma_wait3A_311, %dma_wait3A_312] : memref<128x512xf32, #tpu.memory_space<vmem>> -> memref<32x512xf32, #tpu.memory_space<vmem>>
      %dma_wait3A_314 = arith.constant 0 : i32
      %dma_wait3A_315 = arith.constant 0 : i32
      %dma_wait3A_316 = tpu.memref_slice %arg2[%dma_wait3A_303, %dma_wait3A_314, %dma_wait3A_315] : memref<512x128x512xf32, #tpu.memory_space<hbm>> -> memref<1x32x512xf32, #tpu.memory_space<hbm>>
      %dma_wait3A_317 = tpu.memref_squeeze %dma_wait3A_316 : memref<1x32x512xf32, #tpu.memory_space<hbm>> -> memref<32x512xf32, #tpu.memory_space<hbm>>
      tpu.wait_dma2 semaphore(%arg11 : memref<!tpu.dma_semaphore, #tpu.memory_space<semaphore_mem>>) src(%dma_wait3A_317 : memref<32x512xf32, #tpu.memory_space<hbm>>) dst(%dma_wait3A_313 : memref<32x512xf32, #tpu.memory_space<vmem>>)
      %dma_wait3A_318 = arith.constant 48 : i32
      %dma_wait3A_319 = arith.constant 0 : i32
      %dma_wait3A_320 = tpu.memref_slice %arg4[%add3A_141, %dma_wait3A_318, %dma_wait3A_319] : memref<512x128x512xf32, #tpu.memory_space<hbm>> -> memref<1x16x512xf32, #tpu.memory_space<hbm>>
      %dma_wait3A_321 = tpu.memref_squeeze %dma_wait3A_320 : memref<1x16x512xf32, #tpu.memory_space<hbm>> -> memref<16x512xf32, #tpu.memory_space<hbm>>
      %dma_wait3A_322 = arith.constant 48 : i32
      %dma_wait3A_323 = arith.constant 0 : i32
      %dma_wait3A_324 = tpu.memref_slice %arg4[%add3A_141, %dma_wait3A_322, %dma_wait3A_323] : memref<512x128x512xf32, #tpu.memory_space<hbm>> -> memref<1x16x512xf32, #tpu.memory_space<hbm>>
      %dma_wait3A_325 = tpu.memref_squeeze %dma_wait3A_324 : memref<1x16x512xf32, #tpu.memory_space<hbm>> -> memref<16x512xf32, #tpu.memory_space<hbm>>
      tpu.wait_dma2 semaphore(%arg10 : memref<!tpu.dma_semaphore, #tpu.memory_space<semaphore_mem>>) src(%arg8 : memref<16x512xf32, #tpu.memory_space<vmem>>) dst(%dma_wait3A_325 : memref<16x512xf32, #tpu.memory_space<hbm>>)
      %parallel_loop3A_326 = arith.constant 0 : i32
      %parallel_loop3A_327 = arith.constant 256 : i32
      %parallel_loop3A_328 = arith.constant 1 : i32
      scf.for %parallel_loop3A_403 = %parallel_loop3A_326 to %parallel_loop3A_327 step %parallel_loop3A_328  : i32 {
        %parallel_loop3A_404 = arith.constant 16 : i32
        %parallel_loop3A_405 = arith.muli %parallel_loop3A_403, %parallel_loop3A_404 : i32
        %parallel_loop3A_406 = arith.constant 20480 : i32
        %parallel_loop3A_407 = arith.addi %parallel_loop3A_406, %parallel_loop3A_405 : i32
        %parallel_loop3A_408 = arith.index_cast %parallel_loop3A_407 : i32 to index
        %parallel_loop3A_409 = tpu.vector_load %arg5[%parallel_loop3A_408] {strides = array<i32>} : memref<32768xi32, #tpu.memory_space<vmem>>, vector<16xi32>,
        %parallel_loop3A_410 = arith.constant 65535 : i32
        %parallel_loop3A_411 = vector.broadcast %parallel_loop3A_410 : i32 to vector<16xi32>
        %parallel_loop3A_412 = arith.andi %parallel_loop3A_409, %parallel_loop3A_411 : vector<16xi32>
        %parallel_loop3A_413 = arith.constant 16 : i32
        %parallel_loop3A_414 = vector.broadcast %parallel_loop3A_413 : i32 to vector<16xi32>
        %parallel_loop3A_415 = arith.shrui %parallel_loop3A_409, %parallel_loop3A_414 : vector<16xi32>
        %parallel_loop3A_416 = arith.constant 9 : i32
        %parallel_loop3A_417 = vector.broadcast %parallel_loop3A_416 : i32 to vector<16xi32>
        %parallel_loop3A_418 = arith.shrui %parallel_loop3A_412, %parallel_loop3A_417 : vector<16xi32>
        %parallel_loop3A_419 = arith.constant 511 : i32
        %parallel_loop3A_420 = vector.broadcast %parallel_loop3A_419 : i32 to vector<16xi32>
        %parallel_loop3A_421 = arith.andi %parallel_loop3A_412, %parallel_loop3A_420 : vector<16xi32>
        %parallel_loop3A_422 = arith.constant 9 : i32
        %parallel_loop3A_423 = vector.broadcast %parallel_loop3A_422 : i32 to vector<16xi32>
        %parallel_loop3A_424 = arith.shrui %parallel_loop3A_415, %parallel_loop3A_423 : vector<16xi32>
        %parallel_loop3A_425 = arith.constant 511 : i32
        %parallel_loop3A_426 = vector.broadcast %parallel_loop3A_425 : i32 to vector<16xi32>
        %parallel_loop3A_427 = arith.andi %parallel_loop3A_415, %parallel_loop3A_426 : vector<16xi32>
        %parallel_loop3A_428 = tpu.vector_load_idx %arg6[%parallel_loop3A_418, %parallel_loop3A_421] : memref<128x512xf32, #tpu.memory_space<vmem>>[vector<16xi32>, vector<16xi32>], vector<16xf32>,
        %parallel_loop3A_429 = tpu.vector_load_idx %arg6[%parallel_loop3A_424, %parallel_loop3A_427] : memref<128x512xf32, #tpu.memory_space<vmem>>[vector<16xi32>, vector<16xi32>], vector<16xf32>,
        %parallel_loop3A_430 = arith.constant 4 : i32
        %parallel_loop3A_431 = arith.shrui %parallel_loop3A_403, %parallel_loop3A_430 : i32
        %parallel_loop3A_432 = arith.constant 15 : i32
        %parallel_loop3A_433 = arith.andi %parallel_loop3A_403, %parallel_loop3A_432 : i32
        %parallel_loop3A_434 = arith.constant 32 : i32
        %parallel_loop3A_435 = arith.muli %parallel_loop3A_433, %parallel_loop3A_434 : i32
        %parallel_loop3A_436 = arith.index_cast %parallel_loop3A_431 : i32 to index
        %parallel_loop3A_437 = arith.index_cast %parallel_loop3A_435 : i32 to index
        %parallel_loop3A_438 = tpu.vector_load %arg8[%parallel_loop3A_436, %parallel_loop3A_437] {strides = array<i32>} : memref<16x512xf32, #tpu.memory_space<vmem>>, vector<16xf32>,
        tpu.vector_store %arg8[%parallel_loop3A_436, %parallel_loop3A_437], %parallel_loop3A_428 {strides = array<i32>} : memref<16x512xf32, #tpu.memory_space<vmem>>, vector<16xf32>,
        %parallel_loop3A_439 = arith.constant 16 : i32
        %parallel_loop3A_440 = arith.addi %parallel_loop3A_435, %parallel_loop3A_439 : i32
        %parallel_loop3A_441 = arith.index_cast %parallel_loop3A_431 : i32 to index
        %parallel_loop3A_442 = arith.index_cast %parallel_loop3A_440 : i32 to index
        %parallel_loop3A_443 = tpu.vector_load %arg8[%parallel_loop3A_441, %parallel_loop3A_442] {strides = array<i32>} : memref<16x512xf32, #tpu.memory_space<vmem>>, vector<16xf32>,
        tpu.vector_store %arg8[%parallel_loop3A_441, %parallel_loop3A_442], %parallel_loop3A_429 {strides = array<i32>} : memref<16x512xf32, #tpu.memory_space<vmem>>, vector<16xf32>,
      } {sc.loop_unroll_factor = 4 : i64, sc.parallel_access}
      %dma_start3A_329 = arith.constant 80 : i32
      %dma_start3A_330 = arith.constant 0 : i32
      %dma_start3A_331 = tpu.memref_slice %arg4[%add3A_141, %dma_start3A_329, %dma_start3A_330] : memref<512x128x512xf32, #tpu.memory_space<hbm>> -> memref<1x16x512xf32, #tpu.memory_space<hbm>>
      %dma_start3A_332 = tpu.memref_squeeze %dma_start3A_331 : memref<1x16x512xf32, #tpu.memory_space<hbm>> -> memref<16x512xf32, #tpu.memory_space<hbm>>
      %dma_start3A_333 = arith.constant 80 : i32
      %dma_start3A_334 = arith.constant 0 : i32
      %dma_start3A_335 = tpu.memref_slice %arg4[%add3A_141, %dma_start3A_333, %dma_start3A_334] : memref<512x128x512xf32, #tpu.memory_space<hbm>> -> memref<1x16x512xf32, #tpu.memory_space<hbm>>
      %dma_start3A_336 = tpu.memref_squeeze %dma_start3A_335 : memref<1x16x512xf32, #tpu.memory_space<hbm>> -> memref<16x512xf32, #tpu.memory_space<hbm>>
      tpu.enqueue_dma source(%arg8 : memref<16x512xf32, #tpu.memory_space<vmem>>) target(%dma_start3A_336 : memref<16x512xf32, #tpu.memory_space<hbm>>) target_semaphore(%arg10 : memref<!tpu.dma_semaphore, #tpu.memory_space<semaphore_mem>>)
      %dma_wait3A_337 = arith.constant 64 : i32
      %dma_wait3A_338 = arith.constant 0 : i32
      %dma_wait3A_339 = tpu.memref_slice %arg4[%add3A_141, %dma_wait3A_337, %dma_wait3A_338] : memref<512x128x512xf32, #tpu.memory_space<hbm>> -> memref<1x16x512xf32, #tpu.memory_space<hbm>>
      %dma_wait3A_340 = tpu.memref_squeeze %dma_wait3A_339 : memref<1x16x512xf32, #tpu.memory_space<hbm>> -> memref<16x512xf32, #tpu.memory_space<hbm>>
      %dma_wait3A_341 = arith.constant 64 : i32
      %dma_wait3A_342 = arith.constant 0 : i32
      %dma_wait3A_343 = tpu.memref_slice %arg4[%add3A_141, %dma_wait3A_341, %dma_wait3A_342] : memref<512x128x512xf32, #tpu.memory_space<hbm>> -> memref<1x16x512xf32, #tpu.memory_space<hbm>>
      %dma_wait3A_344 = tpu.memref_squeeze %dma_wait3A_343 : memref<1x16x512xf32, #tpu.memory_space<hbm>> -> memref<16x512xf32, #tpu.memory_space<hbm>>
      tpu.wait_dma2 semaphore(%arg9 : memref<!tpu.dma_semaphore, #tpu.memory_space<semaphore_mem>>) src(%arg7 : memref<16x512xf32, #tpu.memory_space<vmem>>) dst(%dma_wait3A_344 : memref<16x512xf32, #tpu.memory_space<hbm>>)
      %parallel_loop3A_345 = arith.constant 0 : i32
      %parallel_loop3A_346 = arith.constant 256 : i32
      %parallel_loop3A_347 = arith.constant 1 : i32
      scf.for %parallel_loop3A_403 = %parallel_loop3A_345 to %parallel_loop3A_346 step %parallel_loop3A_347  : i32 {
        %parallel_loop3A_404 = arith.constant 16 : i32
        %parallel_loop3A_405 = arith.muli %parallel_loop3A_403, %parallel_loop3A_404 : i32
        %parallel_loop3A_406 = arith.constant 24576 : i32
        %parallel_loop3A_407 = arith.addi %parallel_loop3A_406, %parallel_loop3A_405 : i32
        %parallel_loop3A_408 = arith.index_cast %parallel_loop3A_407 : i32 to index
        %parallel_loop3A_409 = tpu.vector_load %arg5[%parallel_loop3A_408] {strides = array<i32>} : memref<32768xi32, #tpu.memory_space<vmem>>, vector<16xi32>,
        %parallel_loop3A_410 = arith.constant 65535 : i32
        %parallel_loop3A_411 = vector.broadcast %parallel_loop3A_410 : i32 to vector<16xi32>
        %parallel_loop3A_412 = arith.andi %parallel_loop3A_409, %parallel_loop3A_411 : vector<16xi32>
        %parallel_loop3A_413 = arith.constant 16 : i32
        %parallel_loop3A_414 = vector.broadcast %parallel_loop3A_413 : i32 to vector<16xi32>
        %parallel_loop3A_415 = arith.shrui %parallel_loop3A_409, %parallel_loop3A_414 : vector<16xi32>
        %parallel_loop3A_416 = arith.constant 9 : i32
        %parallel_loop3A_417 = vector.broadcast %parallel_loop3A_416 : i32 to vector<16xi32>
        %parallel_loop3A_418 = arith.shrui %parallel_loop3A_412, %parallel_loop3A_417 : vector<16xi32>
        %parallel_loop3A_419 = arith.constant 511 : i32
        %parallel_loop3A_420 = vector.broadcast %parallel_loop3A_419 : i32 to vector<16xi32>
        %parallel_loop3A_421 = arith.andi %parallel_loop3A_412, %parallel_loop3A_420 : vector<16xi32>
        %parallel_loop3A_422 = arith.constant 9 : i32
        %parallel_loop3A_423 = vector.broadcast %parallel_loop3A_422 : i32 to vector<16xi32>
        %parallel_loop3A_424 = arith.shrui %parallel_loop3A_415, %parallel_loop3A_423 : vector<16xi32>
        %parallel_loop3A_425 = arith.constant 511 : i32
        %parallel_loop3A_426 = vector.broadcast %parallel_loop3A_425 : i32 to vector<16xi32>
        %parallel_loop3A_427 = arith.andi %parallel_loop3A_415, %parallel_loop3A_426 : vector<16xi32>
        %parallel_loop3A_428 = tpu.vector_load_idx %arg6[%parallel_loop3A_418, %parallel_loop3A_421] : memref<128x512xf32, #tpu.memory_space<vmem>>[vector<16xi32>, vector<16xi32>], vector<16xf32>,
        %parallel_loop3A_429 = tpu.vector_load_idx %arg6[%parallel_loop3A_424, %parallel_loop3A_427] : memref<128x512xf32, #tpu.memory_space<vmem>>[vector<16xi32>, vector<16xi32>], vector<16xf32>,
        %parallel_loop3A_430 = arith.constant 4 : i32
        %parallel_loop3A_431 = arith.shrui %parallel_loop3A_403, %parallel_loop3A_430 : i32
        %parallel_loop3A_432 = arith.constant 15 : i32
        %parallel_loop3A_433 = arith.andi %parallel_loop3A_403, %parallel_loop3A_432 : i32
        %parallel_loop3A_434 = arith.constant 32 : i32
        %parallel_loop3A_435 = arith.muli %parallel_loop3A_433, %parallel_loop3A_434 : i32
        %parallel_loop3A_436 = arith.index_cast %parallel_loop3A_431 : i32 to index
        %parallel_loop3A_437 = arith.index_cast %parallel_loop3A_435 : i32 to index
        %parallel_loop3A_438 = tpu.vector_load %arg7[%parallel_loop3A_436, %parallel_loop3A_437] {strides = array<i32>} : memref<16x512xf32, #tpu.memory_space<vmem>>, vector<16xf32>,
        tpu.vector_store %arg7[%parallel_loop3A_436, %parallel_loop3A_437], %parallel_loop3A_428 {strides = array<i32>} : memref<16x512xf32, #tpu.memory_space<vmem>>, vector<16xf32>,
        %parallel_loop3A_439 = arith.constant 16 : i32
        %parallel_loop3A_440 = arith.addi %parallel_loop3A_435, %parallel_loop3A_439 : i32
        %parallel_loop3A_441 = arith.index_cast %parallel_loop3A_431 : i32 to index
        %parallel_loop3A_442 = arith.index_cast %parallel_loop3A_440 : i32 to index
        %parallel_loop3A_443 = tpu.vector_load %arg7[%parallel_loop3A_441, %parallel_loop3A_442] {strides = array<i32>} : memref<16x512xf32, #tpu.memory_space<vmem>>, vector<16xf32>,
        tpu.vector_store %arg7[%parallel_loop3A_441, %parallel_loop3A_442], %parallel_loop3A_429 {strides = array<i32>} : memref<16x512xf32, #tpu.memory_space<vmem>>, vector<16xf32>,
      } {sc.loop_unroll_factor = 4 : i64, sc.parallel_access}
      %dma_start3A_348 = arith.constant 96 : i32
      %dma_start3A_349 = arith.constant 0 : i32
      %dma_start3A_350 = tpu.memref_slice %arg4[%add3A_141, %dma_start3A_348, %dma_start3A_349] : memref<512x128x512xf32, #tpu.memory_space<hbm>> -> memref<1x16x512xf32, #tpu.memory_space<hbm>>
      %dma_start3A_351 = tpu.memref_squeeze %dma_start3A_350 : memref<1x16x512xf32, #tpu.memory_space<hbm>> -> memref<16x512xf32, #tpu.memory_space<hbm>>
      %dma_start3A_352 = arith.constant 96 : i32
      %dma_start3A_353 = arith.constant 0 : i32
      %dma_start3A_354 = tpu.memref_slice %arg4[%add3A_141, %dma_start3A_352, %dma_start3A_353] : memref<512x128x512xf32, #tpu.memory_space<hbm>> -> memref<1x16x512xf32, #tpu.memory_space<hbm>>
      %dma_start3A_355 = tpu.memref_squeeze %dma_start3A_354 : memref<1x16x512xf32, #tpu.memory_space<hbm>> -> memref<16x512xf32, #tpu.memory_space<hbm>>
      tpu.enqueue_dma source(%arg7 : memref<16x512xf32, #tpu.memory_space<vmem>>) target(%dma_start3A_355 : memref<16x512xf32, #tpu.memory_space<hbm>>) target_semaphore(%arg9 : memref<!tpu.dma_semaphore, #tpu.memory_space<semaphore_mem>>)
      %dma_start3A_356 = arith.constant 64 : i32
      %dma_start3A_357 = arith.constant 0 : i32
      %dma_start3A_358 = tpu.memref_slice %arg6[%dma_start3A_356, %dma_start3A_357] : memref<128x512xf32, #tpu.memory_space<vmem>> -> memref<32x512xf32, #tpu.memory_space<vmem>>
      %dma_start3A_359 = arith.constant 64 : i32
      %dma_start3A_360 = arith.constant 0 : i32
      %dma_start3A_361 = tpu.memref_slice %arg2[%min3A_144, %dma_start3A_359, %dma_start3A_360] : memref<512x128x512xf32, #tpu.memory_space<hbm>> -> memref<1x32x512xf32, #tpu.memory_space<hbm>>
      %dma_start3A_362 = tpu.memref_squeeze %dma_start3A_361 : memref<1x32x512xf32, #tpu.memory_space<hbm>> -> memref<32x512xf32, #tpu.memory_space<hbm>>
      %dma_start3A_363 = arith.constant 64 : i32
      %dma_start3A_364 = arith.constant 0 : i32
      %dma_start3A_365 = tpu.memref_slice %arg6[%dma_start3A_363, %dma_start3A_364] : memref<128x512xf32, #tpu.memory_space<vmem>> -> memref<32x512xf32, #tpu.memory_space<vmem>>
      %dma_start3A_366 = arith.constant 64 : i32
      %dma_start3A_367 = arith.constant 0 : i32
      %dma_start3A_368 = tpu.memref_slice %arg2[%min3A_144, %dma_start3A_366, %dma_start3A_367] : memref<512x128x512xf32, #tpu.memory_space<hbm>> -> memref<1x32x512xf32, #tpu.memory_space<hbm>>
      %dma_start3A_369 = tpu.memref_squeeze %dma_start3A_368 : memref<1x32x512xf32, #tpu.memory_space<hbm>> -> memref<32x512xf32, #tpu.memory_space<hbm>>
      tpu.enqueue_dma source(%dma_start3A_369 : memref<32x512xf32, #tpu.memory_space<hbm>>) target(%dma_start3A_365 : memref<32x512xf32, #tpu.memory_space<vmem>>) target_semaphore(%arg11 : memref<!tpu.dma_semaphore, #tpu.memory_space<semaphore_mem>>)
      %dma_wait3A_370 = arith.constant 80 : i32
      %dma_wait3A_371 = arith.constant 0 : i32
      %dma_wait3A_372 = tpu.memref_slice %arg4[%add3A_141, %dma_wait3A_370, %dma_wait3A_371] : memref<512x128x512xf32, #tpu.memory_space<hbm>> -> memref<1x16x512xf32, #tpu.memory_space<hbm>>
      %dma_wait3A_373 = tpu.memref_squeeze %dma_wait3A_372 : memref<1x16x512xf32, #tpu.memory_space<hbm>> -> memref<16x512xf32, #tpu.memory_space<hbm>>
      %dma_wait3A_374 = arith.constant 80 : i32
      %dma_wait3A_375 = arith.constant 0 : i32
      %dma_wait3A_376 = tpu.memref_slice %arg4[%add3A_141, %dma_wait3A_374, %dma_wait3A_375] : memref<512x128x512xf32, #tpu.memory_space<hbm>> -> memref<1x16x512xf32, #tpu.memory_space<hbm>>
      %dma_wait3A_377 = tpu.memref_squeeze %dma_wait3A_376 : memref<1x16x512xf32, #tpu.memory_space<hbm>> -> memref<16x512xf32, #tpu.memory_space<hbm>>
      tpu.wait_dma2 semaphore(%arg10 : memref<!tpu.dma_semaphore, #tpu.memory_space<semaphore_mem>>) src(%arg8 : memref<16x512xf32, #tpu.memory_space<vmem>>) dst(%dma_wait3A_377 : memref<16x512xf32, #tpu.memory_space<hbm>>)
      %parallel_loop3A_378 = arith.constant 0 : i32
      %parallel_loop3A_379 = arith.constant 256 : i32
      %parallel_loop3A_380 = arith.constant 1 : i32
      scf.for %parallel_loop3A_403 = %parallel_loop3A_378 to %parallel_loop3A_379 step %parallel_loop3A_380  : i32 {
        %parallel_loop3A_404 = arith.constant 16 : i32
        %parallel_loop3A_405 = arith.muli %parallel_loop3A_403, %parallel_loop3A_404 : i32
        %parallel_loop3A_406 = arith.constant 28672 : i32
        %parallel_loop3A_407 = arith.addi %parallel_loop3A_406, %parallel_loop3A_405 : i32
        %parallel_loop3A_408 = arith.index_cast %parallel_loop3A_407 : i32 to index
        %parallel_loop3A_409 = tpu.vector_load %arg5[%parallel_loop3A_408] {strides = array<i32>} : memref<32768xi32, #tpu.memory_space<vmem>>, vector<16xi32>,
        %parallel_loop3A_410 = arith.constant 65535 : i32
        %parallel_loop3A_411 = vector.broadcast %parallel_loop3A_410 : i32 to vector<16xi32>
        %parallel_loop3A_412 = arith.andi %parallel_loop3A_409, %parallel_loop3A_411 : vector<16xi32>
        %parallel_loop3A_413 = arith.constant 16 : i32
        %parallel_loop3A_414 = vector.broadcast %parallel_loop3A_413 : i32 to vector<16xi32>
        %parallel_loop3A_415 = arith.shrui %parallel_loop3A_409, %parallel_loop3A_414 : vector<16xi32>
        %parallel_loop3A_416 = arith.constant 9 : i32
        %parallel_loop3A_417 = vector.broadcast %parallel_loop3A_416 : i32 to vector<16xi32>
        %parallel_loop3A_418 = arith.shrui %parallel_loop3A_412, %parallel_loop3A_417 : vector<16xi32>
        %parallel_loop3A_419 = arith.constant 511 : i32
        %parallel_loop3A_420 = vector.broadcast %parallel_loop3A_419 : i32 to vector<16xi32>
        %parallel_loop3A_421 = arith.andi %parallel_loop3A_412, %parallel_loop3A_420 : vector<16xi32>
        %parallel_loop3A_422 = arith.constant 9 : i32
        %parallel_loop3A_423 = vector.broadcast %parallel_loop3A_422 : i32 to vector<16xi32>
        %parallel_loop3A_424 = arith.shrui %parallel_loop3A_415, %parallel_loop3A_423 : vector<16xi32>
        %parallel_loop3A_425 = arith.constant 511 : i32
        %parallel_loop3A_426 = vector.broadcast %parallel_loop3A_425 : i32 to vector<16xi32>
        %parallel_loop3A_427 = arith.andi %parallel_loop3A_415, %parallel_loop3A_426 : vector<16xi32>
        %parallel_loop3A_428 = tpu.vector_load_idx %arg6[%parallel_loop3A_418, %parallel_loop3A_421] : memref<128x512xf32, #tpu.memory_space<vmem>>[vector<16xi32>, vector<16xi32>], vector<16xf32>,
        %parallel_loop3A_429 = tpu.vector_load_idx %arg6[%parallel_loop3A_424, %parallel_loop3A_427] : memref<128x512xf32, #tpu.memory_space<vmem>>[vector<16xi32>, vector<16xi32>], vector<16xf32>,
        %parallel_loop3A_430 = arith.constant 4 : i32
        %parallel_loop3A_431 = arith.shrui %parallel_loop3A_403, %parallel_loop3A_430 : i32
        %parallel_loop3A_432 = arith.constant 15 : i32
        %parallel_loop3A_433 = arith.andi %parallel_loop3A_403, %parallel_loop3A_432 : i32
        %parallel_loop3A_434 = arith.constant 32 : i32
        %parallel_loop3A_435 = arith.muli %parallel_loop3A_433, %parallel_loop3A_434 : i32
        %parallel_loop3A_436 = arith.index_cast %parallel_loop3A_431 : i32 to index
        %parallel_loop3A_437 = arith.index_cast %parallel_loop3A_435 : i32 to index
        %parallel_loop3A_438 = tpu.vector_load %arg8[%parallel_loop3A_436, %parallel_loop3A_437] {strides = array<i32>} : memref<16x512xf32, #tpu.memory_space<vmem>>, vector<16xf32>,
        tpu.vector_store %arg8[%parallel_loop3A_436, %parallel_loop3A_437], %parallel_loop3A_428 {strides = array<i32>} : memref<16x512xf32, #tpu.memory_space<vmem>>, vector<16xf32>,
        %parallel_loop3A_439 = arith.constant 16 : i32
        %parallel_loop3A_440 = arith.addi %parallel_loop3A_435, %parallel_loop3A_439 : i32
        %parallel_loop3A_441 = arith.index_cast %parallel_loop3A_431 : i32 to index
        %parallel_loop3A_442 = arith.index_cast %parallel_loop3A_440 : i32 to index
        %parallel_loop3A_443 = tpu.vector_load %arg8[%parallel_loop3A_441, %parallel_loop3A_442] {strides = array<i32>} : memref<16x512xf32, #tpu.memory_space<vmem>>, vector<16xf32>,
        tpu.vector_store %arg8[%parallel_loop3A_441, %parallel_loop3A_442], %parallel_loop3A_429 {strides = array<i32>} : memref<16x512xf32, #tpu.memory_space<vmem>>, vector<16xf32>,
      } {sc.loop_unroll_factor = 4 : i64, sc.parallel_access}
      %dma_start3A_381 = arith.constant 112 : i32
      %dma_start3A_382 = arith.constant 0 : i32
      %dma_start3A_383 = tpu.memref_slice %arg4[%add3A_141, %dma_start3A_381, %dma_start3A_382] : memref<512x128x512xf32, #tpu.memory_space<hbm>> -> memref<1x16x512xf32, #tpu.memory_space<hbm>>
      %dma_start3A_384 = tpu.memref_squeeze %dma_start3A_383 : memref<1x16x512xf32, #tpu.memory_space<hbm>> -> memref<16x512xf32, #tpu.memory_space<hbm>>
      %dma_start3A_385 = arith.constant 112 : i32
      %dma_start3A_386 = arith.constant 0 : i32
      %dma_start3A_387 = tpu.memref_slice %arg4[%add3A_141, %dma_start3A_385, %dma_start3A_386] : memref<512x128x512xf32, #tpu.memory_space<hbm>> -> memref<1x16x512xf32, #tpu.memory_space<hbm>>
      %dma_start3A_388 = tpu.memref_squeeze %dma_start3A_387 : memref<1x16x512xf32, #tpu.memory_space<hbm>> -> memref<16x512xf32, #tpu.memory_space<hbm>>
      tpu.enqueue_dma source(%arg8 : memref<16x512xf32, #tpu.memory_space<vmem>>) target(%dma_start3A_388 : memref<16x512xf32, #tpu.memory_space<hbm>>) target_semaphore(%arg10 : memref<!tpu.dma_semaphore, #tpu.memory_space<semaphore_mem>>)
      %dma_start3A_389 = arith.constant 96 : i32
      %dma_start3A_390 = arith.constant 0 : i32
      %dma_start3A_391 = tpu.memref_slice %arg6[%dma_start3A_389, %dma_start3A_390] : memref<128x512xf32, #tpu.memory_space<vmem>> -> memref<32x512xf32, #tpu.memory_space<vmem>>
      %dma_start3A_392 = arith.constant 96 : i32
      %dma_start3A_393 = arith.constant 0 : i32
      %dma_start3A_394 = tpu.memref_slice %arg2[%min3A_144, %dma_start3A_392, %dma_start3A_393] : memref<512x128x512xf32, #tpu.memory_space<hbm>> -> memref<1x32x512xf32, #tpu.memory_space<hbm>>
      %dma_start3A_395 = tpu.memref_squeeze %dma_start3A_394 : memref<1x32x512xf32, #tpu.memory_space<hbm>> -> memref<32x512xf32, #tpu.memory_space<hbm>>
      %dma_start3A_396 = arith.constant 96 : i32
      %dma_start3A_397 = arith.constant 0 : i32
      %dma_start3A_398 = tpu.memref_slice %arg6[%dma_start3A_396, %dma_start3A_397] : memref<128x512xf32, #tpu.memory_space<vmem>> -> memref<32x512xf32, #tpu.memory_space<vmem>>
      %dma_start3A_399 = arith.constant 96 : i32
      %dma_start3A_400 = arith.constant 0 : i32
      %dma_start3A_401 = tpu.memref_slice %arg2[%min3A_144, %dma_start3A_399, %dma_start3A_400] : memref<512x128x512xf32, #tpu.memory_space<hbm>> -> memref<1x32x512xf32, #tpu.memory_space<hbm>>
      %dma_start3A_402 = tpu.memref_squeeze %dma_start3A_401 : memref<1x32x512xf32, #tpu.memory_space<hbm>> -> memref<32x512xf32, #tpu.memory_space<hbm>>
      tpu.enqueue_dma source(%dma_start3A_402 : memref<32x512xf32, #tpu.memory_space<hbm>>) target(%dma_start3A_398 : memref<32x512xf32, #tpu.memory_space<vmem>>) target_semaphore(%arg11 : memref<!tpu.dma_semaphore, #tpu.memory_space<semaphore_mem>>)
    }
    %scan3A_62 = arith.constant 16 : i32
    %dma_wait3A = arith.constant 511 : i32
    %dma_wait3A_63 = arith.constant 96 : i32
    %dma_wait3A_64 = arith.constant 0 : i32
    %dma_wait3A_65 = tpu.memref_slice %arg4[%dma_wait3A, %dma_wait3A_63, %dma_wait3A_64] : memref<512x128x512xf32, #tpu.memory_space<hbm>> -> memref<1x16x512xf32, #tpu.memory_space<hbm>>
    %dma_wait3A_66 = tpu.memref_squeeze %dma_wait3A_65 : memref<1x16x512xf32, #tpu.memory_space<hbm>> -> memref<16x512xf32, #tpu.memory_space<hbm>>
    %dma_wait3A_67 = arith.constant 96 : i32
    %dma_wait3A_68 = arith.constant 0 : i32
    %dma_wait3A_69 = tpu.memref_slice %arg4[%dma_wait3A, %dma_wait3A_67, %dma_wait3A_68] : memref<512x128x512xf32, #tpu.memory_space<hbm>> -> memref<1x16x512xf32, #tpu.memory_space<hbm>>
    %dma_wait3A_70 = tpu.memref_squeeze %dma_wait3A_69 : memref<1x16x512xf32, #tpu.memory_space<hbm>> -> memref<16x512xf32, #tpu.memory_space<hbm>>
    tpu.wait_dma2 semaphore(%arg9 : memref<!tpu.dma_semaphore, #tpu.memory_space<semaphore_mem>>) src(%arg7 : memref<16x512xf32, #tpu.memory_space<vmem>>) dst(%dma_wait3A_70 : memref<16x512xf32, #tpu.memory_space<hbm>>)
    %dma_wait3A_71 = arith.constant 511 : i32
    %dma_wait3A_72 = arith.constant 112 : i32
    %dma_wait3A_73 = arith.constant 0 : i32
    %dma_wait3A_74 = tpu.memref_slice %arg4[%dma_wait3A_71, %dma_wait3A_72, %dma_wait3A_73] : memref<512x128x512xf32, #tpu.memory_space<hbm>> -> memref<1x16x512xf32, #tpu.memory_space<hbm>>
    %dma_wait3A_75 = tpu.memref_squeeze %dma_wait3A_74 : memref<1x16x512xf32, #tpu.memory_space<hbm>> -> memref<16x512xf32, #tpu.memory_space<hbm>>
    %dma_wait3A_76 = arith.constant 112 : i32
    %dma_wait3A_77 = arith.constant 0 : i32
    %dma_wait3A_78 = tpu.memref_slice %arg4[%dma_wait3A_71, %dma_wait3A_76, %dma_wait3A_77] : memref<512x128x512xf32, #tpu.memory_space<hbm>> -> memref<1x16x512xf32, #tpu.memory_space<hbm>>
    %dma_wait3A_79 = tpu.memref_squeeze %dma_wait3A_78 : memref<1x16x512xf32, #tpu.memory_space<hbm>> -> memref<16x512xf32, #tpu.memory_space<hbm>>
    tpu.wait_dma2 semaphore(%arg10 : memref<!tpu.dma_semaphore, #tpu.memory_space<semaphore_mem>>) src(%arg8 : memref<16x512xf32, #tpu.memory_space<vmem>>) dst(%dma_wait3A_79 : memref<16x512xf32, #tpu.memory_space<hbm>>)
    %dma_wait3A_80 = arith.constant 0 : i32
    %dma_wait3A_81 = arith.constant 0 : i32
    %dma_wait3A_82 = arith.constant 0 : i32
    %dma_wait3A_83 = tpu.memref_slice %arg6[%dma_wait3A_81, %dma_wait3A_82] : memref<128x512xf32, #tpu.memory_space<vmem>> -> memref<32x512xf32, #tpu.memory_space<vmem>>
    %dma_wait3A_84 = arith.constant 0 : i32
    %dma_wait3A_85 = arith.constant 0 : i32
    %dma_wait3A_86 = tpu.memref_slice %arg2[%dma_wait3A_80, %dma_wait3A_84, %dma_wait3A_85] : memref<512x128x512xf32, #tpu.memory_space<hbm>> -> memref<1x32x512xf32, #tpu.memory_space<hbm>>
    %dma_wait3A_87 = tpu.memref_squeeze %dma_wait3A_86 : memref<1x32x512xf32, #tpu.memory_space<hbm>> -> memref<32x512xf32, #tpu.memory_space<hbm>>
    %dma_wait3A_88 = arith.constant 0 : i32
    %dma_wait3A_89 = arith.constant 0 : i32
    %dma_wait3A_90 = tpu.memref_slice %arg6[%dma_wait3A_88, %dma_wait3A_89] : memref<128x512xf32, #tpu.memory_space<vmem>> -> memref<32x512xf32, #tpu.memory_space<vmem>>
    %dma_wait3A_91 = arith.constant 0 : i32
    %dma_wait3A_92 = arith.constant 0 : i32
    %dma_wait3A_93 = tpu.memref_slice %arg2[%dma_wait3A_80, %dma_wait3A_91, %dma_wait3A_92] : memref<512x128x512xf32, #tpu.memory_space<hbm>> -> memref<1x32x512xf32, #tpu.memory_space<hbm>>
    %dma_wait3A_94 = tpu.memref_squeeze %dma_wait3A_93 : memref<1x32x512xf32, #tpu.memory_space<hbm>> -> memref<32x512xf32, #tpu.memory_space<hbm>>
    tpu.wait_dma2 semaphore(%arg11 : memref<!tpu.dma_semaphore, #tpu.memory_space<semaphore_mem>>) src(%dma_wait3A_94 : memref<32x512xf32, #tpu.memory_space<hbm>>) dst(%dma_wait3A_90 : memref<32x512xf32, #tpu.memory_space<vmem>>)
    %dma_wait3A_95 = arith.constant 0 : i32
    %dma_wait3A_96 = arith.constant 0 : i32
    %dma_wait3A_97 = arith.constant 0 : i32
    %dma_wait3A_98 = tpu.memref_slice %arg6[%dma_wait3A_96, %dma_wait3A_97] : memref<128x512xf32, #tpu.memory_space<vmem>> -> memref<32x512xf32, #tpu.memory_space<vmem>>
    %dma_wait3A_99 = arith.constant 0 : i32
    %dma_wait3A_100 = arith.constant 0 : i32
    %dma_wait3A_101 = tpu.memref_slice %arg2[%dma_wait3A_95, %dma_wait3A_99, %dma_wait3A_100] : memref<512x128x512xf32, #tpu.memory_space<hbm>> -> memref<1x32x512xf32, #tpu.memory_space<hbm>>
    %dma_wait3A_102 = tpu.memref_squeeze %dma_wait3A_101 : memref<1x32x512xf32, #tpu.memory_space<hbm>> -> memref<32x512xf32, #tpu.memory_space<hbm>>
    %dma_wait3A_103 = arith.constant 0 : i32
    %dma_wait3A_104 = arith.constant 0 : i32
    %dma_wait3A_105 = tpu.memref_slice %arg6[%dma_wait3A_103, %dma_wait3A_104] : memref<128x512xf32, #tpu.memory_space<vmem>> -> memref<32x512xf32, #tpu.memory_space<vmem>>
    %dma_wait3A_106 = arith.constant 0 : i32
    %dma_wait3A_107 = arith.constant 0 : i32
    %dma_wait3A_108 = tpu.memref_slice %arg2[%dma_wait3A_95, %dma_wait3A_106, %dma_wait3A_107] : memref<512x128x512xf32, #tpu.memory_space<hbm>> -> memref<1x32x512xf32, #tpu.memory_space<hbm>>
    %dma_wait3A_109 = tpu.memref_squeeze %dma_wait3A_108 : memref<1x32x512xf32, #tpu.memory_space<hbm>> -> memref<32x512xf32, #tpu.memory_space<hbm>>
    tpu.wait_dma2 semaphore(%arg11 : memref<!tpu.dma_semaphore, #tpu.memory_space<semaphore_mem>>) src(%dma_wait3A_109 : memref<32x512xf32, #tpu.memory_space<hbm>>) dst(%dma_wait3A_105 : memref<32x512xf32, #tpu.memory_space<vmem>>)
    %dma_wait3A_110 = arith.constant 0 : i32
    %dma_wait3A_111 = arith.constant 0 : i32
    %dma_wait3A_112 = arith.constant 0 : i32
    %dma_wait3A_113 = tpu.memref_slice %arg6[%dma_wait3A_111, %dma_wait3A_112] : memref<128x512xf32, #tpu.memory_space<vmem>> -> memref<32x512xf32, #tpu.memory_space<vmem>>
    %dma_wait3A_114 = arith.constant 0 : i32
    %dma_wait3A_115 = arith.constant 0 : i32
    %dma_wait3A_116 = tpu.memref_slice %arg2[%dma_wait3A_110, %dma_wait3A_114, %dma_wait3A_115] : memref<512x128x512xf32, #tpu.memory_space<hbm>> -> memref<1x32x512xf32, #tpu.memory_space<hbm>>
    %dma_wait3A_117 = tpu.memref_squeeze %dma_wait3A_116 : memref<1x32x512xf32, #tpu.memory_space<hbm>> -> memref<32x512xf32, #tpu.memory_space<hbm>>
    %dma_wait3A_118 = arith.constant 0 : i32
    %dma_wait3A_119 = arith.constant 0 : i32
    %dma_wait3A_120 = tpu.memref_slice %arg6[%dma_wait3A_118, %dma_wait3A_119] : memref<128x512xf32, #tpu.memory_space<vmem>> -> memref<32x512xf32, #tpu.memory_space<vmem>>
    %dma_wait3A_121 = arith.constant 0 : i32
    %dma_wait3A_122 = arith.constant 0 : i32
    %dma_wait3A_123 = tpu.memref_slice %arg2[%dma_wait3A_110, %dma_wait3A_121, %dma_wait3A_122] : memref<512x128x512xf32, #tpu.memory_space<hbm>> -> memref<1x32x512xf32, #tpu.memory_space<hbm>>
    %dma_wait3A_124 = tpu.memref_squeeze %dma_wait3A_123 : memref<1x32x512xf32, #tpu.memory_space<hbm>> -> memref<32x512xf32, #tpu.memory_space<hbm>>
    tpu.wait_dma2 semaphore(%arg11 : memref<!tpu.dma_semaphore, #tpu.memory_space<semaphore_mem>>) src(%dma_wait3A_124 : memref<32x512xf32, #tpu.memory_space<hbm>>) dst(%dma_wait3A_120 : memref<32x512xf32, #tpu.memory_space<vmem>>)
    %dma_wait3A_125 = arith.constant 0 : i32
    %dma_wait3A_126 = arith.constant 0 : i32
    %dma_wait3A_127 = arith.constant 0 : i32
    %dma_wait3A_128 = tpu.memref_slice %arg6[%dma_wait3A_126, %dma_wait3A_127] : memref<128x512xf32, #tpu.memory_space<vmem>> -> memref<32x512xf32, #tpu.memory_space<vmem>>
    %dma_wait3A_129 = arith.constant 0 : i32
    %dma_wait3A_130 = arith.constant 0 : i32
    %dma_wait3A_131 = tpu.memref_slice %arg2[%dma_wait3A_125, %dma_wait3A_129, %dma_wait3A_130] : memref<512x128x512xf32, #tpu.memory_space<hbm>> -> memref<1x32x512xf32, #tpu.memory_space<hbm>>
    %dma_wait3A_132 = tpu.memref_squeeze %dma_wait3A_131 : memref<1x32x512xf32, #tpu.memory_space<hbm>> -> memref<32x512xf32, #tpu.memory_space<hbm>>
    %dma_wait3A_133 = arith.constant 0 : i32
    %dma_wait3A_134 = arith.constant 0 : i32
    %dma_wait3A_135 = tpu.memref_slice %arg6[%dma_wait3A_133, %dma_wait3A_134] : memref<128x512xf32, #tpu.memory_space<vmem>> -> memref<32x512xf32, #tpu.memory_space<vmem>>
    %dma_wait3A_136 = arith.constant 0 : i32
    %dma_wait3A_137 = arith.constant 0 : i32
    %dma_wait3A_138 = tpu.memref_slice %arg2[%dma_wait3A_125, %dma_wait3A_136, %dma_wait3A_137] : memref<512x128x512xf32, #tpu.memory_space<hbm>> -> memref<1x32x512xf32, #tpu.memory_space<hbm>>
    %dma_wait3A_139 = tpu.memref_squeeze %dma_wait3A_138 : memref<1x32x512xf32, #tpu.memory_space<hbm>> -> memref<32x512xf32, #tpu.memory_space<hbm>>
    tpu.wait_dma2 semaphore(%arg11 : memref<!tpu.dma_semaphore, #tpu.memory_space<semaphore_mem>>) src(%dma_wait3A_139 : memref<32x512xf32, #tpu.memory_space<hbm>>) dst(%dma_wait3A_135 : memref<32x512xf32, #tpu.memory_space<vmem>>)
    return
  }
}

</mosaic_0001>

<sc_bundles>
// kernel: kernel.3.cloned.1.call-start
scs
__scs_entry_jumppad:
0x0: {  	(pc) =	sbr.rel $0x88, $3  }
0x1: {  	(tag) =	ssettag $0x0;
	lr =	simm.s32 $0x1  }
0x2: {  	[smem:$0x3F9F] =	sst lr;
	_ =	strace $0xD0000000  }
0x3: {  	_ = 	snop  }
0x4: {  	_ = 	snop  }
0x5: {  	_ = 	snop  }
0x6: {  	_ = 	snop  }
0x7: {  	_ = 	snop  }
__scs_overlays_trampoline_lowered:
0x8: {  	[smem:$0x3FAE] =	sst s0  }
0x9: {  	[smem:$0x3FAF] =	sst s1  }
0xa: {  	[smem:$0x3FB0] =	sst s2  }
0xb: {  	[smem:$0x3FB1] =	sst s3  }
0xc: {  	[smem:$0x3FB2] =	sst s4  }
0xd: {  	[smem:$0x3FB3] =	sst s5  }
0xe: {  	[smem:$0x3FB4] =	sst s6  }
0xf: {  	[smem:$0x3FB5] =	sst s7  }
0x10: {  	[smem:$0x3FB6] =	sst s8  }
0x11: {  	[smem:$0x3FB7] =	sst s9;
	s0 =	simm.s32 @!p0 $0x0  }
0x12: {  	s1 =	sld [smem:$0x3F9D];
	s0 =	simm.s32 @p0 $0x1  }
0x13: {  	[smem:$0x3FB8] =	sst s0;
	s0 =	simm.s32 @!p1 $0x0  }
0x14: {  	s2 =	sld [smem:$0x3F9C];
	s0 =	simm.s32 @p1 $0x1  }
0x15: {  	[smem:$0x3FB9] =	sst s0;
	s0 =	simm.s32 @!p2 $0x0  }
0x16: {  	s3 =	sld [smem:$0x3FDB];
	s0 =	simm.s32 @p2 $0x1  }
0x17: {  	s4 =	simm.s32 $0x1BF5;
	[smem:$0x3FBB] =	sst s0  }
0x18: {  	s0 =	sld [smem:$0x3F9E];
	_ =	swait.ge [sflag:s4], $0x0  }
0x19: {  	s7 =	sld [smem:$0x3F9F]  }
0x1a: {  	s8 =	sadd.s32 $0xFFFFE003, lr  }
0x1b: {  	s9 =	sadd.s32 $0xFFFFFEF7, lr;
	s5 =	simm.s32 $0xFFFFFFFF;
	p2 =	slt.u32 s8, $0xFFFFF086  }
0x1c: {  	p1 =	slt.u32 s9, $0xF7A;
	s5 =	simm.s32 @!p2 $0x0  }
0x1d: {  	s5 =	simm.s32 @p1 $0x1;
	p0 =	seq.s32 s7, s2  }
0x1e: {  	s7 =	smul.u32 @!p0 $0xF7A, s2;
	p2 =	seq.s32 @!p0 s5, $0x0  }
0x1f: {  	s9 =	smul.u32 $0xF7A, s1;
	s8 =	simm.s32 @!p0 $0x1BF5;
	p2 =	por !p2, p0  }
0x20: {  	[sflag:s8] =	ssyncset.s32 @!p0 $0xFFFFF086;
	s6 =	sadd.s32 @!p0 s3, s7;
	s7 =	simm.s32 @!p0 $0x108  }
0x21: {  	s3 =	sadd.s32 s3, s9;
	s6 =	sadd.s32 @!p0 $0x88, s6;
	s7 =	simm.s32 @p2 $0x1082  }
0x22: {  	[simem:s7], [sflag:s8] =	dma.local @!p0 [hbm:s6], $0xF7A  }
0x23: {  	s9 =	sor.u32 $0xD0000000, s2;
	s6 =	simm.s32 $0x108;
	_ =	swait.ge @!p0 [sflag:s8], $0x0  }
0x24: {  	s3 =	sadd.s32 $0x88, s3;
	s6 =	simm.s32 @!p1 $0x1082;
	[sflag:s4] =	ssyncset.s32 $0xFFFFF086  }
0x25: {  	[simem:s6], [sflag:s4] =	dma.local [hbm:s3], $0xF7A  }
0x26: {  	[smem:$0x3F9F] =	sst s1;
	(tag) =	ssettag s2;
	_ =	strace s9  }
0x27: {  	s1 =	sld [smem:$0x3FAF]  }
0x28: {  	s2 =	sld [smem:$0x3FB0]  }
0x29: {  	s4 =	sld [smem:$0x3FB2]  }
0x2a: {  	p0 =	seq.s32 s5, $0x0;
	s5 =	sld [smem:$0x3FB3]  }
0x2b: {  	s6 =	sld [smem:$0x3FB4]  }
0x2c: {  	s7 =	sld [smem:$0x3FB5]  }
0x2d: {  	s3 =	simm.s32 $0x108;
	s8 =	sld [smem:$0x3FB6]  }
0x2e: {  	s3 =	simm.s32 @!p0 $0x1082;
	s9 =	sld [smem:$0x3FB7]  }
0x2f: {  	lr =	sadd.s32 s0, s3;
	s0 =	sld [smem:$0x3FAE]  }
0x30: {  	s3 =	sld [smem:$0x3FB1]  }
0x31: {  	[smem:$0x3FBA] =	sst s10  }
0x32: {  	s10 =	sld [smem:$0x3FB8];
	_ =	sdelay $0x3  }
0x33: {  	p0 =	seq.s32 s10, $0x1;
	s10 =	sld [smem:$0x3FBA];
	_ =	sdelay $0x3  }
0x34: {  	[smem:$0x3FBA] =	sst s10  }
0x35: {  	s10 =	sld [smem:$0x3FB9];
	_ =	sdelay $0x3  }
0x36: {  	p1 =	seq.s32 s10, $0x1;
	s10 =	sld [smem:$0x3FBA];
	_ =	sdelay $0x3  }
0x37: {  	[smem:$0x3FBA] =	sst s10  }
0x38: {  	s10 =	sld [smem:$0x3FBB]  }
0x39: {  	_ = 	snop;
	(pc) =	sbr.ind lr, $3  }
0x3a: {  	_ = 	snop  }
0x3b: {  	_ = 	snop  }
0x3c: {  	p2 =	seq.s32 s10, $0x1;
	s10 =	sld [smem:$0x3FBA]  }
0x3d: {  	_ =	shalt  }
0x3e: {  	_ =	shalt  }
0x3f: {  	_ =	shalt  }
0x40: {  	_ =	shalt  }
0x41: {  	_ =	shalt  }
0x42: {  	_ =	shalt  }
0x43: {  	_ =	shalt  }
0x44: {  	_ =	shalt  }
0x45: {  	_ =	shalt  }
0x46: {  	_ =	shalt  }
0x47: {  	_ =	shalt  }
0x48: {  	_ =	shalt  }
0x49: {  	_ =	shalt  }
0x4a: {  	_ =	shalt  }
0x4b: {  	_ =	shalt  }
0x4c: {  	_ =	shalt  }
0x4d: {  	_ =	shalt  }
0x4e: {  	_ =	shalt  }
0x4f: {  	_ =	shalt  }
0x50: {  	_ =	shalt  }
0x51: {  	_ =	shalt  }
0x52: {  	_ =	shalt  }
0x53: {  	_ =	shalt  }
0x54: {  	_ =	shalt  }
0x55: {  	_ =	shalt  }
0x56: {  	_ =	shalt  }
0x57: {  	_ =	shalt  }
0x58: {  	_ =	shalt  }
0x59: {  	_ =	shalt  }
0x5a: {  	_ =	shalt  }
0x5b: {  	_ =	shalt  }
0x5c: {  	_ =	shalt  }
0x5d: {  	_ =	shalt  }
0x5e: {  	_ =	shalt  }
0x5f: {  	_ =	shalt  }
0x60: {  	_ =	shalt  }
0x61: {  	_ =	shalt  }
0x62: {  	_ =	shalt  }
0x63: {  	_ =	shalt  }
0x64: {  	_ =	shalt  }
0x65: {  	_ =	shalt  }
0x66: {  	_ =	shalt  }
0x67: {  	_ =	shalt  }
0x68: {  	_ =	shalt  }
0x69: {  	_ =	shalt  }
0x6a: {  	_ =	shalt  }
0x6b: {  	_ =	shalt  }
0x6c: {  	_ =	shalt  }
0x6d: {  	_ =	shalt  }
0x6e: {  	_ =	shalt  }
0x6f: {  	_ =	shalt  }
0x70: {  	_ =	shalt  }
0x71: {  	_ =	shalt  }
0x72: {  	_ =	shalt  }
0x73: {  	_ =	shalt  }
0x74: {  	_ =	shalt  }
0x75: {  	_ =	shalt  }
0x76: {  	_ =	shalt  }
0x77: {  	_ =	shalt  }
0x78: {  	_ =	shalt  }
0x79: {  	_ =	shalt  }
0x7a: {  	_ =	shalt  }
0x7b: {  	_ =	shalt  }
0x7c: {  	_ =	shalt  }
0x7d: {  	_ =	shalt  }
0x7e: {  	_ =	shalt  }
0x7f: {  	_ =	shalt  }
0x80: {  	_ =	shalt  }
0x81: {  	_ =	shalt  }
0x82: {  	_ =	shalt  }
0x83: {  	_ =	shalt  }
0x84: {  	_ =	shalt  }
0x85: {  	_ =	shalt  }
0x86: {  	_ =	shalt  }
0x87: {  	_ =	shalt  }
.Lfunc_end0:
.L_simem_size_0:
called_computation_lowered:
.L_overlay_start_0:
0x88: {  	s2 =	sld [smem:$0x3FD9]  }
0x89: {  	s3 =	sld [smem:$0x3FFE];
	_ =	sdelay $0x1  }
0x8a: {  	s1 =	srdreg.scid  }
0x8b: {  	s0 =	sand.u32 $0x1, s1  }
0x8c: {  	s17 =	sshll.u32 s0, $0xA;
	s2 =	sadd.s32 s3, s2  }
0x8d: {  	s2 =	sadd.s32 s2, s17  }
0x8e: {  	[smem:$0x3FC6] =	sst s2  }
0x8f: {  	_ = 	snop  }
0x90: {  	s2 =	sld [smem:$0x3FC9]  }
0x91: {  	s18 =	sld [smem:$0x3FD0];
	(tm) =	ssettm $0x1  }
0x92: {  	s4 =	sld [smem:$0x3FFB];
	_ =	sdelay $0x3  }
0x93: {  	_ =	strace s4  }
0x94: {  	s4 =	sld [smem:$0x3FFC];
	_ =	sdelay $0x3  }
0x95: {  	_ =	strace s4  }
0x96: {  	s4 =	sld [smem:$0x3FFD];
	_ =	sdelay $0x3  }
0x97: {  	_ =	strace s4  }
0x98: {  	_ =	strace $0x8FFFFFFF  }
0x99: {  	s19 =	sld [smem:$0x3FDB];
	_ =	sdelay $0x1  }
0x9a: {  	s5 =	simm.s32 $_scs_section_size  }
0x9b: {  	s6 =	simm.s32 $_size__tile_overlayer_lowered;
	s7 =	simm.s32 $_tile_overlayer_lowered  }
0x9c: {  	s22 =	simm.s32 $0x1BFF;
	s21 =	sshll.u32 s7, $0x1;
	s4 =	sadd.s32 s5, s19  }
0x9d: {  	s8 =	simm.s32 $0x0;
	s20 =	sshll.u32 s6, $0x1;
	s6 =	sadd.s32 s21, s4  }
0x9e: {  	[timem:s8], [sflag:s22] =	dma.local [hbm:s6], s20  }
0x9f: {  	_ =	swait.ge [sflag:s22], s20  }
0xa0: {  	s5 =	ssub.s32 $0x0, s20;
	[sflag:s22] =	ssyncset.done $0x0  }
0xa1: {  	[sflag:s22] =	ssyncadd.s32 s5;
	_ =	sdelay $0x1  }
0xa2: {  	s23 =	simm.s32 $0x1B8B  }
0xa3: {  	_ =	swait.ge [sflag:s23], $0x1  }
0xa4: {  	[sflag:s23] =	ssyncset.done $0x0  }
0xa5: {  	s25 =	simm.s32 $0x1B8E;
	s24 =	sld [smem:$0x3FFE];
	[sflag:s23] =	ssyncadd.s32 $0xFFFFFFFF  }
0xa6: {  	s26 =	simm.s32 $execute0_lowered;
	[smem:$0x3FD2] =	sst s25  }
0xa7: {  	s6 =	sshll.u32 s26, $0x1;
	_ =	strace $0x80000046;
	[dreg:$0x1] =	wrdreg $0xFFFFFFFF  }
0xa8: {  	s28 =	simm.s32 $_size_execute0_lowered;
	s4 =	sadd.s32 s4, s6;
	[dreg:$0x0] =	wrdreg $0x0  }
0xa9: {  	s6 =	sshll.u32 s28, $0x1;
	[dreg:$0x2] =	wrdreg s4  }
0xaa: {  	[dreg:$0x3] =	wrdreg s6  }
0xab: {  	[dreg:$0x4] =	wrdreg $0xC0  }
0xac: {  	_ =	task [dreg:s8], $0x5FFFF  }
0xad: {  	[dreg:$0x1] =	wrdreg $0xFFFFFFFF  }
0xae: {  	[dreg:$0x0] =	wrdreg $0x60  }
0xaf: {  	[dreg:$0x2] =	wrdreg s2  }
0xb0: {  	[dreg:$0x3] =	wrdreg s24  }
0xb1: {  	[dreg:$0x4] =	wrdreg s18  }
0xb2: {  	[dreg:$0x5] =	wrdreg $0x9  }
0xb3: {  	_ =	task.clear_ibuf [dreg:s8], $0x6FFFF;
	_ =	strace $0x90000046  }
0xb4: {  	s29 =	simm.s32 $0x9;
	_ =	strace $0x80000048  }
0xb5: {  	_ =	swait.ge [sflag:s29], $0x1  }
0xb6: {  	[sflag:s29] =	ssyncadd.s32 $0xFFFFFFFF  }
0xb7: {  	_ =	strace $0x90000048  }
0xb8: {  	_ =	sfence  }
0xb9: {  	s30 =	sld [smem:$0x0];
	_ =	sdelay $0x2  }
0xba: {  	s31 =	sshll.u32 s1, $0xD;
	s1 =	sshrl.u32 s1, $0x2  }
0xbb: {  	s3 =	sand.u32 $0x4000, s31;
	s1 =	sadd.s32 s1, s30  }
0xbc: {  	s0 =	sor.u32 s3, s0;
	s1 =	sshll.u32 s1, $0x11  }
0xbd: {  	s0 =	sor.u32 s1, s0  }
0xbe: {  	s0 =	sadd.s32 $0x8F2B, s0  }
0xbf: {  	[sflag:s0] =	ssyncadd.remote.s32 $0x1  }
0xc0: {  	_ =	sfence.sel $0xFFFF  }
0xc1: {  	[dreg:$0x0] =	wrdreg $0xFFFFFFFF;
	(pc) =	sbr.abs _section_cstart, $3  }
0xc2: {  	[dreg:$0x1] =	wrdreg $0xFFFFFFFF  }
0xc3: {  	_ =	task.clear_ibuf [dreg:s8], $0x2FFFF;
	_ =	strace $0x9FFFFFFF  }
0xc4: {  	(tm) =	ssettm $0x7FFFFFFF  }
0xc5: {  	_ =	shalt  }
tec
execute0_lowered:
.L_overlay_start_1:
0x0: {  	(tag) =	ssettag $0x1  }
0x1: {  	s5 =	rddreg [dreg:$0x0]  }
0x2: {  	s0 =	rddreg [dreg:$0x1]  }
0x3: {  	s6 =	rddreg [dreg:$0x2]  }
0x4: {  	s1 =	srdreg.scid;
	s4 =	simm.s32 $0x0;
	s2 =	stileid.u32  }
0x5: {  	s28 =	simm.s32 $0x3;
	s29 =	simm.s32 $0x18000;
	s30 =	simm.s32 $0x1A000  }
0x6: {  	s31 =	simm.s32 $0x1;
	s1 =	sand.u32 $0x1, s1;
	[smem:$0x7FF] =	sst s4  }
0x7: {  	s2 =	sshll.u32 s2, $0x5;
	s0 =	sadd.s32 $0x400, s0;
	s21 =	sadd.s32 $0x800, s5  }
0x8: {  	s22 =	sadd.s32 $0x1000, s5;
	s23 =	sadd.s32 $0x1800, s5;
	s25 =	sadd.s32 $0x400, s6  }
0x9: {  	s26 =	sadd.s32 $0x800, s6;
	s16 =	sadd.s32 $0xC00, s6;
	s17 =	sadd.s32 $0x1000, s6  }
0xa: {  	s18 =	sadd.s32 $0x1400, s6;
	s3 =	sshll.u32 s1, $0x4;
	_ =	strace $0x80000047  }
0xb: {  	s1 =	ssub.s32 $0x2, s1;
	[dreg:$0x4] =	wrdreg s0;
	s11 =	smov.u32 s21  }
0xc: {  	s14 =	smov.u32 s22;
	s15 =	smov.u32 s23;
	s2 =	sor.u32 s3, s2  }
0xd: {  	[dreg:$0x9] =	wrdreg s25;
	s10 =	smov.u32 s2;
	s2 =	sshll.u32 s2, $0xD  }
0xe: {  	[dreg:$0xa] =	wrdreg s26;
	s19 =	sshrl.u32 s1, $0x1;
	s20 =	sadd.s32 s5, s2  }
0xf: {  	s0 =	ssub.s32 s1, s19;
	s1 =	sadd.s32 s2, s21;
	[dreg:$0x5] =	wrdreg s20  }
0x10: {  	s19 =	sadd.s32 $0x1800, s6;
	s24 =	sadd.s32 s2, s23;
	[dreg:$0x6] =	wrdreg s1  }
0x11: {  	s0 =	smax.u32 s0, $0x1;
	s23 =	simm.s32 $0x8000;
	[dreg:$0x8] =	wrdreg s24  }
0x12: {  	s1 =	sadd.s32 s2, s22;
	s20 =	sadd.s32 $0x1C00, s6;
	[dreg:$0xb] =	wrdreg s0  }
0x13: {  	s0 =	simm.s32 $0x2;
	s2 =	simm.s32 $0x0;
	[dreg:$0x7] =	wrdreg s1  }
.LBB2_1:
0x14: {  	[dreg:$0xc] =	wrdreg s2  }
0x15: {  	s1 =	rddreg [dreg:$0x4];
	s9 =	simm.s32 $0x4  }
0x16: {  	[tilespmem:s4], [sflag:$0x4] =	stream.linear.gather [hbm4b:s1+s4], $0x8000, $0x38;
	[tilespmem:$0x1C000] =	vst v63  }
0x17: {  	_ =	swait.ge [sflag:s9], $0x8000  }
0x18: {  	[sflag:s9] =	ssyncset.done $0x0  }
0x19: {  	s12 =	rddreg [dreg:$0x5];
	[sflag:s9] =	ssyncadd.s32 $0xFFFF8000  }
0x1a: {  	[tilespmem:s23], [sflag:$0x3] =	stream.linear.gather [hbm4b:s12+s4], $0x4000, $0x38;
	[tilespmem:$0x1C000] =	vst v63  }
0x1b: {  	s21 =	simm.s32 $0xC000;
	s13 =	rddreg [dreg:$0x6]  }
0x1c: {  	[tilespmem:s21], [sflag:$0x3] =	stream.linear.gather [hbm4b:s13+s4], $0x4000, $0x38;
	[tilespmem:$0x1C000] =	vst v63  }
0x1d: {  	s24 =	simm.s32 $0x10000;
	s22 =	rddreg [dreg:$0x7]  }
0x1e: {  	[tilespmem:s24], [sflag:$0x3] =	stream.linear.gather [hbm4b:s22+s4], $0x4000, $0x38;
	[tilespmem:$0x1C000] =	vst v63  }
0x1f: {  	s26 =	simm.s32 $0x14000;
	s6 =	simm.s32 $0x0;
	s25 =	rddreg [dreg:$0x8]  }
0x20: {  	[tilespmem:s26], [sflag:$0x3] =	stream.linear.gather [hbm4b:s25+s4], $0x4000, $0x38;
	[tilespmem:$0x1C000] =	vst v63  }
.LBB2_2:
0x21: {  	_ =	swait.ge [sflag:s28], $0x4000  }
0x22: {  	p0 =	seq.s32 s6, $0x0;
	[sflag:s28] =	ssyncset.done $0x0  }
0x23: {  	s1 =	simm.s32 @!p0 $0x1;
	[sflag:s28] =	ssyncadd.s32 $0xFFFFC000  }
0x24: {  	_ =	swait.ge @!p0 [sflag:s1], $0x2000  }
0x25: {  	[sflag:s1] =	ssyncset.done @!p0 $0x0  }
0x26: {  	s25 =	simm.s32 $0x20;
	[sflag:s1] =	ssyncadd.s32 @!p0 $0xFFFFE000  }
0x27: {  	v3 =	vld [tilespmem:s25+$0x10]  }
0x28: {  	v9 =	vld [tilespmem:s25+$0xFFFFFFF0]  }
0x29: {  	v11 =	vld [tilespmem:s25+$0x0];
	_ =	sdelay $0x1  }
0x2a: {  	v5 =	vld [tilespmem:s25+$0xFFFFFFE0];
	_ =	sdelay $0x1  }
0x2b: {  	v2 =	vshrl.u32 v3, $0x10;
	v0 =	vshrl.u32 v3, $0xD  }
0x2c: {  	v6 =	vshrl.u32 v3, $0x12;
	v7 =	vshrl.u32 v9, $0xD;
	v10 =	vshrl.u32 v11, $0xD  }
0x2d: {  	v14 =	vshll.u32 v3, $0x3;
	v15 =	vshrl.u32 v3, $0x2;
	v3 =	vand.u32 $0xF07F, v3  }
0x2e: {  	v16 =	vshll.u32 v5, $0x3;
	v17 =	vshll.u32 v9, $0x3;
	v18 =	vshrl.u32 v9, $0x12  }
0x2f: {  	v19 =	vshll.u32 v11, $0x3;
	v1 =	vand.u32 $0xF000, v2;
	v4 =	vand.u32 $0xC00, v0  }
0x30: {  	v20 =	vshrl.u32 v11, $0x12;
	v6 =	vand.u32 $0x380, v6;
	v4 =	vor.u32 v4, v1  }
0x31: {  	v0 =	vshrl.u32 v9, $0x10;
	v2 =	vand.u32 $0x7F, v2;
	v4 =	vor.u32 v6, v4  }
0x32: {  	v7 =	vand.u32 $0xC00, v7;
	v10 =	vand.u32 $0xC00, v10;
	v4 =	vor.u32 v2, v4  }
0x33: {  	v14 =	vand.u32 $0xC00, v14;
	v15 =	vand.u32 $0x380, v15;
	v63 =	vand.u32 $0x380, v20  }
0x34: {  	v1 =	vshrl.u32 v5, $0x10;
	v12 =	vand.u32 $0xF000, v0;
	v3 =	vor.u32 v14, v3  }
0x35: {  	v14 =	vshrl.u32 v5, $0x12;
	v6 =	vshrl.u32 v5, $0xD;
	v8 =	vand.u32 $0xF000, v1  }
0x36: {  	s7 =	sor.u32 s10, s6;
	s13 =	simm.s32 $0x0;
	v15 =	vor.u32 v15, v3;
	v12 =	vor.u32 v7, v12;
	v3 =	vand.u32 $0xC00, v16  }
0x37: {  	s21 =	simm.s32 $0x0;
	s24 =	simm.s32 $0x0;
	p1 =	slt.s32 s7, $0x1FE;
	v16 =	vand.u32 $0x380, v14;
	v7 =	vshrl.u32 v9, $0x2;
	v2 =	vshrl.u32 v11, $0x10;
	v21 =	vld.idx.msk [tilespmem:v4+s23+$0x0], $0xffff  }
0x38: {  	s9 =	smov.u32 s7;
	s26 =	sand.u32 $0x3000, s13;
	s2 =	sand.u32 $0x1000, s13;
	v14 =	vand.u32 $0xF07F, v11;
	v6 =	vand.u32 $0xC00, v6;
	v13 =	vand.u32 $0xF000, v2  }
0x39: {  	s3 =	sand.u32 $0xC00, s13;
	s2 =	sor.u32 $0x18000, s2;
	s1 =	sshrl.u32 s26, $0x2;
	v22 =	vor.u32 v6, v8;
	v6 =	vand.u32 $0xC00, v19;
	v8 =	vshrl.u32 v5, $0x2  }
0x3a: {  	s12 =	sand.u32 $0x380, s13;
	s1 =	sor.u32 s1, s2;
	s2 =	sor.u32 s3, s2;
	v23 =	vor.u32 v10, v13;
	v10 =	vand.u32 $0xF07F, v5;
	v13 =	vand.u32 $0xF07F, v9  }
0x3b: {  	s9 =	simm.s32 @!p1 $0x1FE;
	s22 =	sor.u32 s12, s1;
	s12 =	sor.u32 s12, s2;
	v9 =	vshrl.u32 v11, $0x2;
	v5 =	vld.idx.msk [tilespmem:v15+s23+$0x0], $0xffff;
	v4 =	vand.u32 $0xC00, v17;
	v17 =	vand.u32 $0x380, v18  }
0x3c: {  	s3 =	simm.s32 $0x0;
	s2 =	simm.s32 $0x60;
	s1 =	simm.s32 $0x0;
	v11 =	vor.u32 v63, v23;
	v15 =	vor.u32 v16, v22;
	v12 =	vor.u32 v17, v12;
	[tilespmem:s12+$0x70] =	vst v21  }
.LBB2_3:
0x3d: {  	v16 =	vld [tilespmem:s2+$0x10];
	s21 =	sadd.s32 $0x4, s21;
	v3 =	vor.u32 v3, v10;
	v4 =	vor.u32 v4, v13;
	v6 =	vor.u32 v6, v14  }
0x3e: {  	v8 =	vand.u32 $0x380, v8;
	v1 =	vand.u32 $0x7F, v1;
	v7 =	vand.u32 $0x380, v7;
	v13 =	vld [tilespmem:s2+$0xFFFFFFF0];
	p1 =	slt.u32 s21, $0xFC  }
0x3f: {  	v0 =	vand.u32 $0x7F, v0;
	v9 =	vand.u32 $0x380, v9;
	v2 =	vand.u32 $0x7F, v2;
	v14 =	vld [tilespmem:s2+$0x0]  }
0x40: {  	v15 =	vor.u32 v1, v15;
	v12 =	vor.u32 v0, v12;
	v11 =	vor.u32 v2, v11;
	v10 =	vld [tilespmem:s2+$0xFFFFFFE0];
	[tilespmem:s12+$0x60] =	vst v5  }
0x41: {  	v3 =	vor.u32 v8, v3;
	v4 =	vor.u32 v7, v4;
	v5 =	vor.u32 v9, v6  }
0x42: {  	v2 =	vshrl.u32 v16, $0x10;
	v0 =	vshrl.u32 v16, $0xD  }
0x43: {  	v7 =	vshrl.u32 v16, $0x12;
	v1 =	vand.u32 $0xF000, v2;
	v6 =	vand.u32 $0xC00, v0  }
0x44: {  	v0 =	vshrl.u32 v13, $0x10;
	v7 =	vand.u32 $0x380, v7;
	v6 =	vor.u32 v6, v1  }
0x45: {  	v2 =	vand.u32 $0x7F, v2;
	v1 =	vshrl.u32 v10, $0x10;
	v6 =	vor.u32 v7, v6;
	v7 =	vld.idx.msk [tilespmem:v15+s23+$0x0], $0xffff  }
0x46: {  	v9 =	vshrl.u32 v13, $0xD;
	v8 =	vshrl.u32 v10, $0xD;
	v6 =	vor.u32 v2, v6;
	v12 =	vld.idx.msk [tilespmem:v12+s23+$0x0], $0xffff  }
0x47: {  	v17 =	vshrl.u32 v14, $0xD;
	v15 =	vand.u32 $0xF000, v1;
	v2 =	vshrl.u32 v14, $0x10;
	v11 =	vld.idx.msk [tilespmem:v11+s23+$0x0], $0xffff  }
0x48: {  	v18 =	vand.u32 $0xF000, v0;
	v9 =	vand.u32 $0xC00, v9;
	v8 =	vand.u32 $0xC00, v8;
	v3 =	vld.idx.msk [tilespmem:v3+s23+$0x0], $0xffff  }
0x49: {  	v20 =	vshll.u32 v16, $0x3;
	v17 =	vand.u32 $0xC00, v17;
	v19 =	vand.u32 $0xF000, v2;
	v21 =	vld.idx.msk [tilespmem:v4+s23+$0x0], $0xffff  }
0x4a: {  	v4 =	vand.u32 $0xC00, v20;
	v20 =	vshrl.u32 v16, $0x2;
	v16 =	vand.u32 $0xF07F, v16;
	v5 =	vld.idx.msk [tilespmem:v5+s23+$0x0], $0xffff  }
0x4b: {  	s13 =	sadd.s32 $0x1000, s13;
	v22 =	vshll.u32 v10, $0x3;
	v20 =	vand.u32 $0x380, v20;
	v4 =	vor.u32 v4, v16;
	v16 =	vld.idx.msk [tilespmem:v6+s23+$0x0], $0xffff;
	[tilespmem:s22+$0x10] =	vst v7  }
0x4c: {  	s1 =	sadd.s32 $0x80, s1;
	s3 =	sadd.s32 $0x400, s3;
	s25 =	sand.u32 $0x3000, s13;
	v6 =	vshrl.u32 v10, $0x12;
	v7 =	vshll.u32 v13, $0x3;
	v20 =	vor.u32 v20, v4;
	[tilespmem:s12+$0x30] =	vst v12  }
0x4d: {  	s24 =	sadd.s32 $0x20, s24;
	s26 =	sand.u32 $0x1000, s1;
	s25 =	sshrl.u32 s25, $0x2;
	v23 =	vshll.u32 v14, $0x3;
	v24 =	vshrl.u32 v14, $0x12;
	v12 =	vshrl.u32 v13, $0x12;
	[tilespmem:s12+$0x50] =	vst v11  }
0x4e: {  	s5 =	sand.u32 $0xC00, s3;
	s8 =	sand.u32 $0x380, s24;
	s26 =	sor.u32 $0x18000, s26;
	v18 =	vor.u32 v9, v18;
	v17 =	vor.u32 v17, v19;
	v11 =	vor.u32 v8, v15;
	[tilespmem:s22+$0x0] =	vst v3  }
.Ltmp0:
0x4f: {  	s5 =	sor.u32 s5, s26;
	v4 =	vand.u32 $0xC00, v7;
	v15 =	vand.u32 $0x380, v6;
	v3 =	vand.u32 $0xC00, v22;
	s22 =	sor.u32 s25, s26;
	[tilespmem:s12+$0x20] =	vst v21;
	(pc) =	sbr.rel @p1 .LBB2_3-.Ltmp0, $4  }
0x50: {  	v19 =	vand.u32 $0x380, v24;
	v12 =	vand.u32 $0x380, v12;
	v6 =	vand.u32 $0xC00, v23;
	s22 =	sor.u32 s8, s22;
	[tilespmem:s12+$0x40] =	vst v5;
	s12 =	sor.u32 s8, s5  }
0x51: {  	v7 =	vshrl.u32 v13, $0x2;
	v8 =	vshrl.u32 v10, $0x2;
	v10 =	vand.u32 $0xF07F, v10;
	v5 =	vld.idx.msk [tilespmem:v20+s23+$0x0], $0xffff;
	[tilespmem:s12+$0x70] =	vst v16  }
0x52: {  	v9 =	vshrl.u32 v14, $0x2;
	v14 =	vand.u32 $0xF07F, v14;
	v13 =	vand.u32 $0xF07F, v13  }
0x53: {  	s2 =	sadd.s32 $0x40, s2;
	v15 =	vor.u32 v15, v11;
	v12 =	vor.u32 v12, v18;
	v11 =	vor.u32 v19, v17  }
0x54: {  	v1 =	vand.u32 $0x7F, v1  }
0x55: {  	v0 =	vand.u32 $0x7F, v0;
	v1 =	vor.u32 v1, v15  }
0x56: {  	v2 =	vand.u32 $0x7F, v2;
	v0 =	vor.u32 v0, v12  }
0x57: {  	v3 =	vor.u32 v3, v10;
	v8 =	vand.u32 $0x380, v8;
	v2 =	vor.u32 v2, v11  }
0x58: {  	v4 =	vor.u32 v4, v13;
	v7 =	vand.u32 $0x380, v7;
	v3 =	vor.u32 v8, v3  }
0x59: {  	v6 =	vor.u32 v6, v14;
	v8 =	vand.u32 $0x380, v9;
	v4 =	vor.u32 v7, v4  }
0x5a: {  	v6 =	vor.u32 v8, v6;
	v1 =	vld.idx.msk [tilespmem:v1+s23+$0x0], $0xffff  }
0x5b: {  	v0 =	vld.idx.msk [tilespmem:v0+s23+$0x0], $0xffff  }
0x5c: {  	v2 =	vld.idx.msk [tilespmem:v2+s23+$0x0], $0xffff  }
0x5d: {  	v3 =	vld.idx.msk [tilespmem:v3+s23+$0x0], $0xffff  }
0x5e: {  	[tilespmem:s12+$0x60] =	vst v5;
	v4 =	vld.idx.msk [tilespmem:v4+s23+$0x0], $0xffff  }
0x5f: {  	v5 =	vld.idx.msk [tilespmem:v6+s23+$0x0], $0xffff;
	[tilespmem:s22+$0x10] =	vst v1  }
0x60: {  	[tilespmem:s12+$0x30] =	vst v0  }
0x61: {  	[tilespmem:s12+$0x50] =	vst v2  }
0x62: {  	[tilespmem:s22+$0x0] =	vst v3  }
0x63: {  	s7 =	sshll.u32 s7, $0xD;
	s1 =	rddreg [dreg:$0x2];
	[tilespmem:s12+$0x20] =	vst v4  }
0x64: {  	s1 =	sadd.s32 s1, s7;
	[tilespmem:s12+$0x40] =	vst v5  }
0x65: {  	[hbm4b:s1+s4] =	stream.linear.scatter [tilespmem:s29], [sflag:$0x1], $0x2000, $0x38;
	[tilespmem:$0x1C000] =	vst v63  }
0x66: {  	_ =	swait.ge [sflag:s28], $0x4000  }
0x67: {  	[sflag:s28] =	ssyncset.done $0x0  }
0x68: {  	s1 =	simm.s32 @!p0 $0x2;
	[sflag:s28] =	ssyncadd.s32 $0xFFFFC000  }
0x69: {  	_ =	swait.ge @!p0 [sflag:s1], $0x2000  }
0x6a: {  	s12 =	simm.s32 $0x0;
	[sflag:s1] =	ssyncset.done @!p0 $0x0  }
0x6b: {  	s25 =	sand.u32 $0xFC0, s12;
	[sflag:s1] =	ssyncadd.s32 @!p0 $0xFFFFE000  }
0x6c: {  	v3 =	vld [tilespmem:s25+$0x1030]  }
0x6d: {  	v7 =	vld [tilespmem:s25+$0x1000]  }
0x6e: {  	v18 =	vld [tilespmem:s25+$0x1020]  }
0x6f: {  	v13 =	vld [tilespmem:s25+$0x1010];
	_ =	sdelay $0x2  }
0x70: {  	v1 =	vshrl.u32 v3, $0x10;
	v0 =	vshrl.u32 v3, $0xD  }
0x71: {  	v5 =	vshrl.u32 v3, $0x12;
	v9 =	vshrl.u32 v18, $0xD;
	v14 =	vshrl.u32 v3, $0x2  }
0x72: {  	v15 =	vshll.u32 v7, $0x3;
	v16 =	vshrl.u32 v7, $0x12;
	v17 =	vshll.u32 v13, $0x3  }
0x73: {  	v21 =	vshll.u32 v18, $0x3;
	v2 =	vand.u32 $0xF000, v1;
	v4 =	vand.u32 $0xC00, v0  }
0x74: {  	v22 =	vshrl.u32 v18, $0x12;
	v2 =	vor.u32 v4, v2;
	v4 =	vand.u32 $0x380, v5  }
0x75: {  	v0 =	vshrl.u32 v7, $0x10;
	v6 =	vand.u32 $0x7F, v1;
	v2 =	vor.u32 v4, v2  }
0x76: {  	v1 =	vshrl.u32 v13, $0x10;
	v9 =	vand.u32 $0xC00, v9;
	v6 =	vor.u32 v6, v2  }
0x77: {  	v14 =	vand.u32 $0x380, v14;
	v5 =	vshrl.u32 v7, $0xD;
	v4 =	vshrl.u32 v13, $0xD  }
0x78: {  	v8 =	vand.u32 $0xF000, v0;
	v11 =	vand.u32 $0xC00, v4;
	v4 =	vshll.u32 v3, $0x3  }
0x79: {  	v10 =	vand.u32 $0xF000, v1;
	v3 =	vand.u32 $0xF07F, v3;
	v4 =	vand.u32 $0xC00, v4  }
0x7a: {  	v5 =	vand.u32 $0xC00, v5;
	v2 =	vshrl.u32 v18, $0x10;
	v3 =	vor.u32 v4, v3  }
0x7b: {  	v12 =	vand.u32 $0xF000, v2;
	v4 =	vor.u32 v5, v8;
	v19 =	vor.u32 v14, v3;
	v20 =	vld.idx.msk [tilespmem:v6+s23+$0x0], $0xffff  }
0x7c: {  	s24 =	simm.s32 $0x0;
	s26 =	sand.u32 $0x3000, s12;
	s2 =	sand.u32 $0x1000, s12;
	v5 =	vor.u32 v11, v10;
	v10 =	vand.u32 $0x380, v16;
	v8 =	vand.u32 $0xC00, v17  }
0x7d: {  	s3 =	sand.u32 $0xC00, s12;
	s2 =	sor.u32 $0x1A000, s2;
	s1 =	sshrl.u32 s26, $0x2;
	v16 =	vand.u32 $0xF07F, v7;
	v11 =	vshrl.u32 v13, $0x2;
	v17 =	vand.u32 $0xF07F, v13  }
0x7e: {  	s5 =	sand.u32 $0x380, s12;
	s1 =	sor.u32 s1, s2;
	s2 =	sor.u32 s3, s2;
	v14 =	vshrl.u32 v13, $0x12;
	v3 =	vor.u32 v9, v12;
	v9 =	vand.u32 $0xC00, v21  }
0x7f: {  	s22 =	simm.s32 $0x0;
	s3 =	simm.s32 $0x0;
	s13 =	sor.u32 s5, s2;
	v12 =	vshrl.u32 v7, $0x2;
	v13 =	vshrl.u32 v18, $0x2;
	v18 =	vand.u32 $0xF07F, v18  }
0x80: {  	s21 =	sor.u32 s5, s1;
	s2 =	simm.s32 $0x40;
	s1 =	simm.s32 $0x0;
	v14 =	vand.u32 $0x380, v14;
	v6 =	vand.u32 $0xC00, v15;
	v15 =	vand.u32 $0x380, v22;
	v7 =	vld.idx.msk [tilespmem:v19+s23+$0x0], $0xffff;
	[tilespmem:s13+$0x70] =	vst v20  }
.LBB2_5:
0x81: {  	s5 =	sand.u32 $0xFC0, s2;
	s22 =	sadd.s32 $0x4, s22;
	v4 =	vor.u32 v10, v4;
	v5 =	vor.u32 v14, v5;
	v3 =	vor.u32 v15, v3  }
0x82: {  	v6 =	vor.u32 v6, v16;
	v8 =	vor.u32 v8, v17;
	v9 =	vor.u32 v9, v18;
	v10 =	vld [tilespmem:s5+$0x1030];
	p0 =	slt.u32 s22, $0xFC  }
0x83: {  	v12 =	vand.u32 $0x380, v12;
	v0 =	vand.u32 $0x7F, v0;
	v11 =	vand.u32 $0x380, v11;
	v16 =	vld [tilespmem:s5+$0x1000]  }
0x84: {  	v1 =	vand.u32 $0x7F, v1;
	v13 =	vand.u32 $0x380, v13;
	v2 =	vand.u32 $0x7F, v2;
	v17 =	vld [tilespmem:s5+$0x1010]  }
0x85: {  	v4 =	vor.u32 v0, v4;
	v5 =	vor.u32 v1, v5;
	v3 =	vor.u32 v2, v3;
	v18 =	vld [tilespmem:s5+$0x1020];
	[tilespmem:s13+$0x60] =	vst v7  }
0x86: {  	v6 =	vor.u32 v12, v6;
	v7 =	vor.u32 v11, v8;
	v8 =	vor.u32 v13, v9  }
0x87: {  	v1 =	vshrl.u32 v10, $0x10;
	v0 =	vshrl.u32 v10, $0xD  }
0x88: {  	v11 =	vshrl.u32 v10, $0x12;
	v2 =	vand.u32 $0xF000, v1;
	v9 =	vand.u32 $0xC00, v0  }
0x89: {  	v0 =	vshrl.u32 v16, $0x10;
	v2 =	vor.u32 v9, v2;
	v9 =	vand.u32 $0x380, v11  }
0x8a: {  	v12 =	vand.u32 $0x7F, v1;
	v11 =	vshrl.u32 v16, $0xD;
	v2 =	vor.u32 v9, v2;
	v4 =	vld.idx.msk [tilespmem:v4+s23+$0x0], $0xffff  }
0x8b: {  	v1 =	vshrl.u32 v17, $0x10;
	v9 =	vshrl.u32 v17, $0xD;
	v12 =	vor.u32 v12, v2;
	v5 =	vld.idx.msk [tilespmem:v5+s23+$0x0], $0xffff  }
0x8c: {  	v13 =	vand.u32 $0xF000, v0;
	v14 =	vshrl.u32 v18, $0xD;
	v2 =	vshrl.u32 v18, $0x10;
	v3 =	vld.idx.msk [tilespmem:v3+s23+$0x0], $0xffff  }
0x8d: {  	v11 =	vand.u32 $0xC00, v11;
	v15 =	vand.u32 $0xF000, v1;
	v9 =	vand.u32 $0xC00, v9;
	v6 =	vld.idx.msk [tilespmem:v6+s23+$0x0], $0xffff  }
0x8e: {  	v20 =	vshll.u32 v10, $0x3;
	v14 =	vand.u32 $0xC00, v14;
	v19 =	vand.u32 $0xF000, v2;
	v7 =	vld.idx.msk [tilespmem:v7+s23+$0x0], $0xffff  }
0x8f: {  	v21 =	vshrl.u32 v10, $0x2;
	v10 =	vand.u32 $0xF07F, v10;
	v20 =	vand.u32 $0xC00, v20;
	v22 =	vld.idx.msk [tilespmem:v8+s23+$0x0], $0xffff  }
0x90: {  	s12 =	sadd.s32 $0x1000, s12;
	v21 =	vand.u32 $0x380, v21;
	v10 =	vor.u32 v20, v10;
	v8 =	vshll.u32 v16, $0x3;
	v20 =	vld.idx.msk [tilespmem:v12+s23+$0x0], $0xffff;
	[tilespmem:s21+$0x10] =	vst v4  }
0x91: {  	s1 =	sadd.s32 $0x80, s1;
	s3 =	sadd.s32 $0x400, s3;
	s5 =	sand.u32 $0x3000, s12;
	v23 =	vshll.u32 v17, $0x3;
	v21 =	vor.u32 v21, v10;
	v12 =	vshrl.u32 v16, $0x12;
	[tilespmem:s13+$0x30] =	vst v5  }
0x92: {  	s24 =	sadd.s32 $0x20, s24;
	s8 =	sand.u32 $0x1000, s1;
	s5 =	sshrl.u32 s5, $0x2;
	v24 =	vshrl.u32 v17, $0x12;
	v25 =	vshll.u32 v18, $0x3;
	v26 =	vshrl.u32 v18, $0x12;
	[tilespmem:s13+$0x50] =	vst v3  }
.Ltmp1:
0x93: {  	s25 =	sand.u32 $0xC00, s3;
	s8 =	sor.u32 $0x1A000, s8;
	v4 =	vor.u32 v11, v13;
	v5 =	vor.u32 v9, v15;
	v3 =	vor.u32 v14, v19;
	[tilespmem:s21+$0x0] =	vst v6;
	(pc) =	sbr.rel @p0 .LBB2_5-.Ltmp1, $4  }
0x94: {  	s26 =	sand.u32 $0x380, s24;
	s5 =	sor.u32 s5, s8;
	s8 =	sor.u32 s25, s8;
	v10 =	vand.u32 $0x380, v12;
	v6 =	vand.u32 $0xC00, v8;
	v8 =	vand.u32 $0xC00, v23;
	[tilespmem:s13+$0x20] =	vst v7  }
0x95: {  	v9 =	vand.u32 $0xC00, v25;
	v15 =	vand.u32 $0x380, v26;
	v14 =	vand.u32 $0x380, v24;
	s21 =	sor.u32 s26, s5;
	[tilespmem:s13+$0x40] =	vst v22;
	s13 =	sor.u32 s26, s8  }
0x96: {  	v11 =	vshrl.u32 v17, $0x2;
	v12 =	vshrl.u32 v16, $0x2;
	v16 =	vand.u32 $0xF07F, v16;
	v7 =	vld.idx.msk [tilespmem:v21+s23+$0x0], $0xffff;
	[tilespmem:s13+$0x70] =	vst v20  }
0x97: {  	s2 =	sadd.s32 $0x40, s2;
	v17 =	vand.u32 $0xF07F, v17;
	v13 =	vshrl.u32 v18, $0x2;
	v18 =	vand.u32 $0xF07F, v18  }
0x98: {  	v4 =	vor.u32 v10, v4;
	v0 =	vand.u32 $0x7F, v0  }
0x99: {  	v5 =	vor.u32 v14, v5;
	v1 =	vand.u32 $0x7F, v1;
	v0 =	vor.u32 v0, v4  }
0x9a: {  	v3 =	vor.u32 v15, v3;
	v2 =	vand.u32 $0x7F, v2;
	v1 =	vor.u32 v1, v5  }
0x9b: {  	v4 =	vor.u32 v6, v16;
	v5 =	vand.u32 $0x380, v12;
	v2 =	vor.u32 v2, v3  }
0x9c: {  	v3 =	vor.u32 v8, v17;
	v6 =	vand.u32 $0x380, v11;
	v4 =	vor.u32 v5, v4  }
0x9d: {  	v8 =	vand.u32 $0x380, v13;
	v5 =	vor.u32 v9, v18;
	v3 =	vor.u32 v6, v3  }
0x9e: {  	v5 =	vor.u32 v8, v5;
	v0 =	vld.idx.msk [tilespmem:v0+s23+$0x0], $0xffff  }
0x9f: {  	v1 =	vld.idx.msk [tilespmem:v1+s23+$0x0], $0xffff  }
0xa0: {  	v2 =	vld.idx.msk [tilespmem:v2+s23+$0x0], $0xffff  }
0xa1: {  	v4 =	vld.idx.msk [tilespmem:v4+s23+$0x0], $0xffff  }
0xa2: {  	[tilespmem:s13+$0x60] =	vst v7;
	v3 =	vld.idx.msk [tilespmem:v3+s23+$0x0], $0xffff  }
0xa3: {  	v5 =	vld.idx.msk [tilespmem:v5+s23+$0x0], $0xffff;
	[tilespmem:s21+$0x10] =	vst v0  }
0xa4: {  	[tilespmem:s13+$0x30] =	vst v1  }
0xa5: {  	[tilespmem:s13+$0x50] =	vst v2  }
0xa6: {  	[tilespmem:s21+$0x0] =	vst v4  }
0xa7: {  	[tilespmem:s13+$0x20] =	vst v3  }
0xa8: {  	[tilespmem:s13+$0x40] =	vst v5  }
0xa9: {  	s1 =	rddreg [dreg:$0x9]  }
0xaa: {  	s12 =	simm.s32 $0x0;
	s1 =	sadd.s32 s7, s1  }
0xab: {  	[hbm4b:s1+s12] =	stream.linear.scatter [tilespmem:s30], [sflag:$0x2], $0x2000, $0x38;
	[tilespmem:$0x1C000] =	vst v63  }
0xac: {  	_ =	swait.ge [sflag:s31], $0x2000  }
0xad: {  	[sflag:s31] =	ssyncset.done $0x0  }
0xae: {  	s25 =	sand.u32 $0xFC0, s12;
	[sflag:s31] =	ssyncadd.s32 $0xFFFFE000  }
0xaf: {  	v3 =	vld [tilespmem:s25+$0x2030]  }
0xb0: {  	v7 =	vld [tilespmem:s25+$0x2000]  }
0xb1: {  	v18 =	vld [tilespmem:s25+$0x2020]  }
0xb2: {  	v13 =	vld [tilespmem:s25+$0x2010];
	_ =	sdelay $0x2  }
0xb3: {  	v1 =	vshrl.u32 v3, $0x10;
	v0 =	vshrl.u32 v3, $0xD  }
0xb4: {  	v5 =	vshrl.u32 v3, $0x12;
	v9 =	vshrl.u32 v18, $0xD;
	v14 =	vshrl.u32 v3, $0x2  }
0xb5: {  	v15 =	vshll.u32 v7, $0x3;
	v16 =	vshrl.u32 v7, $0x12;
	v17 =	vshll.u32 v13, $0x3  }
0xb6: {  	v21 =	vshll.u32 v18, $0x3;
	v2 =	vand.u32 $0xF000, v1;
	v4 =	vand.u32 $0xC00, v0  }
0xb7: {  	v22 =	vshrl.u32 v18, $0x12;
	v2 =	vor.u32 v4, v2;
	v4 =	vand.u32 $0x380, v5  }
0xb8: {  	v0 =	vshrl.u32 v7, $0x10;
	v6 =	vand.u32 $0x7F, v1;
	v2 =	vor.u32 v4, v2  }
0xb9: {  	v1 =	vshrl.u32 v13, $0x10;
	v9 =	vand.u32 $0xC00, v9;
	v6 =	vor.u32 v6, v2  }
0xba: {  	v14 =	vand.u32 $0x380, v14;
	v5 =	vshrl.u32 v7, $0xD;
	v4 =	vshrl.u32 v13, $0xD  }
0xbb: {  	v8 =	vand.u32 $0xF000, v0;
	v11 =	vand.u32 $0xC00, v4;
	v4 =	vshll.u32 v3, $0x3  }
0xbc: {  	v10 =	vand.u32 $0xF000, v1;
	v3 =	vand.u32 $0xF07F, v3;
	v4 =	vand.u32 $0xC00, v4  }
0xbd: {  	v5 =	vand.u32 $0xC00, v5;
	v2 =	vshrl.u32 v18, $0x10;
	v3 =	vor.u32 v4, v3  }
0xbe: {  	v12 =	vand.u32 $0xF000, v2;
	v4 =	vor.u32 v5, v8;
	v19 =	vor.u32 v14, v3;
	v20 =	vld.idx.msk [tilespmem:v6+s23+$0x0], $0xffff  }
0xbf: {  	s22 =	simm.s32 $0x0;
	s26 =	sand.u32 $0x3000, s12;
	s2 =	sand.u32 $0x1000, s12;
	v5 =	vor.u32 v11, v10;
	v10 =	vand.u32 $0x380, v16;
	v8 =	vand.u32 $0xC00, v17  }
0xc0: {  	s3 =	sand.u32 $0xC00, s12;
	s2 =	sor.u32 $0x18000, s2;
	s1 =	sshrl.u32 s26, $0x2;
	v16 =	vand.u32 $0xF07F, v7;
	v11 =	vshrl.u32 v13, $0x2;
	v17 =	vand.u32 $0xF07F, v13  }
0xc1: {  	s5 =	sand.u32 $0x380, s12;
	s1 =	sor.u32 s1, s2;
	s2 =	sor.u32 s3, s2;
	v14 =	vshrl.u32 v13, $0x12;
	v3 =	vor.u32 v9, v12;
	v9 =	vand.u32 $0xC00, v21  }
0xc2: {  	s24 =	simm.s32 $0x0;
	s3 =	simm.s32 $0x0;
	s13 =	sor.u32 s5, s2;
	v12 =	vshrl.u32 v7, $0x2;
	v13 =	vshrl.u32 v18, $0x2;
	v18 =	vand.u32 $0xF07F, v18  }
0xc3: {  	s21 =	sor.u32 s5, s1;
	s2 =	simm.s32 $0x40;
	s1 =	simm.s32 $0x0;
	v14 =	vand.u32 $0x380, v14;
	v6 =	vand.u32 $0xC00, v15;
	v15 =	vand.u32 $0x380, v22;
	v7 =	vld.idx.msk [tilespmem:v19+s23+$0x0], $0xffff;
	[tilespmem:s13+$0x70] =	vst v20  }
.LBB2_7:
0xc4: {  	s5 =	sand.u32 $0xFC0, s2;
	s22 =	sadd.s32 $0x4, s22;
	v4 =	vor.u32 v10, v4;
	v5 =	vor.u32 v14, v5;
	v3 =	vor.u32 v15, v3  }
0xc5: {  	v6 =	vor.u32 v6, v16;
	v8 =	vor.u32 v8, v17;
	v9 =	vor.u32 v9, v18;
	v10 =	vld [tilespmem:s5+$0x2030];
	p0 =	slt.u32 s22, $0xFC  }
0xc6: {  	v12 =	vand.u32 $0x380, v12;
	v0 =	vand.u32 $0x7F, v0;
	v11 =	vand.u32 $0x380, v11;
	v16 =	vld [tilespmem:s5+$0x2000]  }
0xc7: {  	v1 =	vand.u32 $0x7F, v1;
	v13 =	vand.u32 $0x380, v13;
	v2 =	vand.u32 $0x7F, v2;
	v17 =	vld [tilespmem:s5+$0x2010]  }
0xc8: {  	v4 =	vor.u32 v0, v4;
	v5 =	vor.u32 v1, v5;
	v3 =	vor.u32 v2, v3;
	v18 =	vld [tilespmem:s5+$0x2020];
	[tilespmem:s13+$0x60] =	vst v7  }
0xc9: {  	v6 =	vor.u32 v12, v6;
	v7 =	vor.u32 v11, v8;
	v8 =	vor.u32 v13, v9  }
0xca: {  	v1 =	vshrl.u32 v10, $0x10;
	v0 =	vshrl.u32 v10, $0xD  }
0xcb: {  	v11 =	vshrl.u32 v10, $0x12;
	v2 =	vand.u32 $0xF000, v1;
	v9 =	vand.u32 $0xC00, v0  }
0xcc: {  	v0 =	vshrl.u32 v16, $0x10;
	v2 =	vor.u32 v9, v2;
	v9 =	vand.u32 $0x380, v11  }
0xcd: {  	v12 =	vand.u32 $0x7F, v1;
	v11 =	vshrl.u32 v16, $0xD;
	v2 =	vor.u32 v9, v2;
	v4 =	vld.idx.msk [tilespmem:v4+s23+$0x0], $0xffff  }
0xce: {  	v1 =	vshrl.u32 v17, $0x10;
	v9 =	vshrl.u32 v17, $0xD;
	v12 =	vor.u32 v12, v2;
	v5 =	vld.idx.msk [tilespmem:v5+s23+$0x0], $0xffff  }
0xcf: {  	v13 =	vand.u32 $0xF000, v0;
	v14 =	vshrl.u32 v18, $0xD;
	v2 =	vshrl.u32 v18, $0x10;
	v3 =	vld.idx.msk [tilespmem:v3+s23+$0x0], $0xffff  }
0xd0: {  	v11 =	vand.u32 $0xC00, v11;
	v15 =	vand.u32 $0xF000, v1;
	v9 =	vand.u32 $0xC00, v9;
	v6 =	vld.idx.msk [tilespmem:v6+s23+$0x0], $0xffff  }
0xd1: {  	v20 =	vshll.u32 v10, $0x3;
	v14 =	vand.u32 $0xC00, v14;
	v19 =	vand.u32 $0xF000, v2;
	v7 =	vld.idx.msk [tilespmem:v7+s23+$0x0], $0xffff  }
0xd2: {  	v21 =	vshrl.u32 v10, $0x2;
	v10 =	vand.u32 $0xF07F, v10;
	v20 =	vand.u32 $0xC00, v20;
	v22 =	vld.idx.msk [tilespmem:v8+s23+$0x0], $0xffff  }
0xd3: {  	s12 =	sadd.s32 $0x1000, s12;
	v21 =	vand.u32 $0x380, v21;
	v10 =	vor.u32 v20, v10;
	v8 =	vshll.u32 v16, $0x3;
	v20 =	vld.idx.msk [tilespmem:v12+s23+$0x0], $0xffff;
	[tilespmem:s21+$0x10] =	vst v4  }
0xd4: {  	s1 =	sadd.s32 $0x80, s1;
	s3 =	sadd.s32 $0x400, s3;
	s5 =	sand.u32 $0x3000, s12;
	v23 =	vshll.u32 v17, $0x3;
	v21 =	vor.u32 v21, v10;
	v12 =	vshrl.u32 v16, $0x12;
	[tilespmem:s13+$0x30] =	vst v5  }
0xd5: {  	s24 =	sadd.s32 $0x20, s24;
	s8 =	sand.u32 $0x1000, s1;
	s5 =	sshrl.u32 s5, $0x2;
	v24 =	vshrl.u32 v17, $0x12;
	v25 =	vshll.u32 v18, $0x3;
	v26 =	vshrl.u32 v18, $0x12;
	[tilespmem:s13+$0x50] =	vst v3  }
.Ltmp2:
0xd6: {  	s25 =	sand.u32 $0xC00, s3;
	s8 =	sor.u32 $0x18000, s8;
	v4 =	vor.u32 v11, v13;
	v5 =	vor.u32 v9, v15;
	v3 =	vor.u32 v14, v19;
	[tilespmem:s21+$0x0] =	vst v6;
	(pc) =	sbr.rel @p0 .LBB2_7-.Ltmp2, $4  }
0xd7: {  	s26 =	sand.u32 $0x380, s24;
	s5 =	sor.u32 s5, s8;
	s8 =	sor.u32 s25, s8;
	v10 =	vand.u32 $0x380, v12;
	v6 =	vand.u32 $0xC00, v8;
	v8 =	vand.u32 $0xC00, v23;
	[tilespmem:s13+$0x20] =	vst v7  }
0xd8: {  	v9 =	vand.u32 $0xC00, v25;
	v15 =	vand.u32 $0x380, v26;
	v14 =	vand.u32 $0x380, v24;
	s21 =	sor.u32 s26, s5;
	[tilespmem:s13+$0x40] =	vst v22;
	s13 =	sor.u32 s26, s8  }
0xd9: {  	v11 =	vshrl.u32 v17, $0x2;
	v12 =	vshrl.u32 v16, $0x2;
	v16 =	vand.u32 $0xF07F, v16;
	v7 =	vld.idx.msk [tilespmem:v21+s23+$0x0], $0xffff;
	[tilespmem:s13+$0x70] =	vst v20  }
0xda: {  	s2 =	sadd.s32 $0x40, s2;
	v17 =	vand.u32 $0xF07F, v17;
	v13 =	vshrl.u32 v18, $0x2;
	v18 =	vand.u32 $0xF07F, v18  }
0xdb: {  	v4 =	vor.u32 v10, v4;
	v0 =	vand.u32 $0x7F, v0  }
0xdc: {  	v5 =	vor.u32 v14, v5;
	v1 =	vand.u32 $0x7F, v1;
	v0 =	vor.u32 v0, v4  }
0xdd: {  	v3 =	vor.u32 v15, v3;
	v2 =	vand.u32 $0x7F, v2;
	v1 =	vor.u32 v1, v5  }
0xde: {  	v4 =	vor.u32 v6, v16;
	v5 =	vand.u32 $0x380, v12;
	v2 =	vor.u32 v2, v3  }
0xdf: {  	v3 =	vor.u32 v8, v17;
	v6 =	vand.u32 $0x380, v11;
	v4 =	vor.u32 v5, v4  }
0xe0: {  	v8 =	vand.u32 $0x380, v13;
	v5 =	vor.u32 v9, v18;
	v3 =	vor.u32 v6, v3  }
0xe1: {  	v5 =	vor.u32 v8, v5;
	v0 =	vld.idx.msk [tilespmem:v0+s23+$0x0], $0xffff  }
0xe2: {  	v1 =	vld.idx.msk [tilespmem:v1+s23+$0x0], $0xffff  }
0xe3: {  	v2 =	vld.idx.msk [tilespmem:v2+s23+$0x0], $0xffff  }
0xe4: {  	v4 =	vld.idx.msk [tilespmem:v4+s23+$0x0], $0xffff  }
0xe5: {  	[tilespmem:s13+$0x60] =	vst v7;
	v3 =	vld.idx.msk [tilespmem:v3+s23+$0x0], $0xffff  }
0xe6: {  	v5 =	vld.idx.msk [tilespmem:v5+s23+$0x0], $0xffff;
	[tilespmem:s21+$0x10] =	vst v0  }
0xe7: {  	[tilespmem:s13+$0x30] =	vst v1  }
0xe8: {  	[tilespmem:s13+$0x50] =	vst v2  }
0xe9: {  	[tilespmem:s21+$0x0] =	vst v4  }
0xea: {  	[tilespmem:s13+$0x20] =	vst v3  }
0xeb: {  	[tilespmem:s13+$0x40] =	vst v5  }
0xec: {  	s12 =	simm.s32 $0x0;
	s22 =	sshll.u32 s9, $0xD;
	s1 =	rddreg [dreg:$0xa]  }
0xed: {  	s24 =	rddreg [dreg:$0x0];
	s9 =	sadd.s32 $0x2000, s22;
	s1 =	sadd.s32 s7, s1  }
0xee: {  	[hbm4b:s1+s12] =	stream.linear.scatter [tilespmem:s29], [sflag:$0x1], $0x2000, $0x38;
	[tilespmem:$0x1C000] =	vst v63  }
0xef: {  	s1 =	sadd.s32 s24, s9  }
0xf0: {  	[tilespmem:s23], [sflag:$0x3] =	stream.linear.gather [hbm4b:s1+s12], $0x4000, $0x38;
	[tilespmem:$0x1C000] =	vst v63  }
0xf1: {  	_ =	swait.ge [sflag:s28], $0x4000  }
0xf2: {  	[sflag:s28] =	ssyncset.done $0x0  }
0xf3: {  	[sflag:s28] =	ssyncadd.s32 $0xFFFFC000  }
0xf4: {  	_ =	swait.ge [sflag:s0], $0x2000  }
0xf5: {  	[sflag:s0] =	ssyncset.done $0x0  }
0xf6: {  	s25 =	sand.u32 $0xFC0, s12;
	[sflag:s0] =	ssyncadd.s32 $0xFFFFE000  }
0xf7: {  	v3 =	vld [tilespmem:s25+$0x3030]  }
0xf8: {  	v7 =	vld [tilespmem:s25+$0x3000]  }
0xf9: {  	v18 =	vld [tilespmem:s25+$0x3020]  }
0xfa: {  	v13 =	vld [tilespmem:s25+$0x3010];
	_ =	sdelay $0x2  }
0xfb: {  	v1 =	vshrl.u32 v3, $0x10;
	v0 =	vshrl.u32 v3, $0xD  }
0xfc: {  	v5 =	vshrl.u32 v3, $0x12;
	v9 =	vshrl.u32 v18, $0xD;
	v14 =	vshrl.u32 v3, $0x2  }
0xfd: {  	v15 =	vshll.u32 v7, $0x3;
	v16 =	vshrl.u32 v7, $0x12;
	v17 =	vshll.u32 v13, $0x3  }
0xfe: {  	v21 =	vshll.u32 v18, $0x3;
	v2 =	vand.u32 $0xF000, v1;
	v4 =	vand.u32 $0xC00, v0  }
0xff: {  	v22 =	vshrl.u32 v18, $0x12;
	v2 =	vor.u32 v4, v2;
	v4 =	vand.u32 $0x380, v5  }
0x100: {  	v0 =	vshrl.u32 v7, $0x10;
	v6 =	vand.u32 $0x7F, v1;
	v2 =	vor.u32 v4, v2  }
0x101: {  	v1 =	vshrl.u32 v13, $0x10;
	v9 =	vand.u32 $0xC00, v9;
	v6 =	vor.u32 v6, v2  }
0x102: {  	v14 =	vand.u32 $0x380, v14;
	v5 =	vshrl.u32 v7, $0xD;
	v4 =	vshrl.u32 v13, $0xD  }
0x103: {  	v8 =	vand.u32 $0xF000, v0;
	v11 =	vand.u32 $0xC00, v4;
	v4 =	vshll.u32 v3, $0x3  }
0x104: {  	v10 =	vand.u32 $0xF000, v1;
	v3 =	vand.u32 $0xF07F, v3;
	v4 =	vand.u32 $0xC00, v4  }
0x105: {  	v5 =	vand.u32 $0xC00, v5;
	v2 =	vshrl.u32 v18, $0x10;
	v3 =	vor.u32 v4, v3  }
0x106: {  	v12 =	vand.u32 $0xF000, v2;
	v4 =	vor.u32 v5, v8;
	v19 =	vor.u32 v14, v3;
	v20 =	vld.idx.msk [tilespmem:v6+s23+$0x0], $0xffff  }
0x107: {  	s22 =	simm.s32 $0x0;
	s26 =	sand.u32 $0x3000, s12;
	s2 =	sand.u32 $0x1000, s12;
	v5 =	vor.u32 v11, v10;
	v10 =	vand.u32 $0x380, v16;
	v8 =	vand.u32 $0xC00, v17  }
0x108: {  	s3 =	sand.u32 $0xC00, s12;
	s2 =	sor.u32 $0x1A000, s2;
	s1 =	sshrl.u32 s26, $0x2;
	v16 =	vand.u32 $0xF07F, v7;
	v11 =	vshrl.u32 v13, $0x2;
	v17 =	vand.u32 $0xF07F, v13  }
0x109: {  	s5 =	sand.u32 $0x380, s12;
	s1 =	sor.u32 s1, s2;
	s2 =	sor.u32 s3, s2;
	v14 =	vshrl.u32 v13, $0x12;
	v3 =	vor.u32 v9, v12;
	v9 =	vand.u32 $0xC00, v21  }
0x10a: {  	s24 =	simm.s32 $0x0;
	s3 =	simm.s32 $0x0;
	s13 =	sor.u32 s5, s2;
	v12 =	vshrl.u32 v7, $0x2;
	v13 =	vshrl.u32 v18, $0x2;
	v18 =	vand.u32 $0xF07F, v18  }
0x10b: {  	s21 =	sor.u32 s5, s1;
	s2 =	simm.s32 $0x40;
	s1 =	simm.s32 $0x0;
	v14 =	vand.u32 $0x380, v14;
	v6 =	vand.u32 $0xC00, v15;
	v15 =	vand.u32 $0x380, v22;
	v7 =	vld.idx.msk [tilespmem:v19+s23+$0x0], $0xffff;
	[tilespmem:s13+$0x70] =	vst v20  }
.LBB2_9:
0x10c: {  	s5 =	sand.u32 $0xFC0, s2;
	s22 =	sadd.s32 $0x4, s22;
	v4 =	vor.u32 v10, v4;
	v5 =	vor.u32 v14, v5;
	v3 =	vor.u32 v15, v3  }
0x10d: {  	v6 =	vor.u32 v6, v16;
	v8 =	vor.u32 v8, v17;
	v9 =	vor.u32 v9, v18;
	v10 =	vld [tilespmem:s5+$0x3030];
	p0 =	slt.u32 s22, $0xFC  }
0x10e: {  	v12 =	vand.u32 $0x380, v12;
	v0 =	vand.u32 $0x7F, v0;
	v11 =	vand.u32 $0x380, v11;
	v16 =	vld [tilespmem:s5+$0x3000]  }
0x10f: {  	v1 =	vand.u32 $0x7F, v1;
	v13 =	vand.u32 $0x380, v13;
	v2 =	vand.u32 $0x7F, v2;
	v17 =	vld [tilespmem:s5+$0x3010]  }
0x110: {  	v4 =	vor.u32 v0, v4;
	v5 =	vor.u32 v1, v5;
	v3 =	vor.u32 v2, v3;
	v18 =	vld [tilespmem:s5+$0x3020];
	[tilespmem:s13+$0x60] =	vst v7  }
0x111: {  	v6 =	vor.u32 v12, v6;
	v7 =	vor.u32 v11, v8;
	v8 =	vor.u32 v13, v9  }
0x112: {  	v1 =	vshrl.u32 v10, $0x10;
	v0 =	vshrl.u32 v10, $0xD  }
0x113: {  	v11 =	vshrl.u32 v10, $0x12;
	v2 =	vand.u32 $0xF000, v1;
	v9 =	vand.u32 $0xC00, v0  }
0x114: {  	v0 =	vshrl.u32 v16, $0x10;
	v2 =	vor.u32 v9, v2;
	v9 =	vand.u32 $0x380, v11  }
0x115: {  	v12 =	vand.u32 $0x7F, v1;
	v11 =	vshrl.u32 v16, $0xD;
	v2 =	vor.u32 v9, v2;
	v4 =	vld.idx.msk [tilespmem:v4+s23+$0x0], $0xffff  }
0x116: {  	v1 =	vshrl.u32 v17, $0x10;
	v9 =	vshrl.u32 v17, $0xD;
	v12 =	vor.u32 v12, v2;
	v5 =	vld.idx.msk [tilespmem:v5+s23+$0x0], $0xffff  }
0x117: {  	v13 =	vand.u32 $0xF000, v0;
	v14 =	vshrl.u32 v18, $0xD;
	v2 =	vshrl.u32 v18, $0x10;
	v3 =	vld.idx.msk [tilespmem:v3+s23+$0x0], $0xffff  }
0x118: {  	v11 =	vand.u32 $0xC00, v11;
	v15 =	vand.u32 $0xF000, v1;
	v9 =	vand.u32 $0xC00, v9;
	v6 =	vld.idx.msk [tilespmem:v6+s23+$0x0], $0xffff  }
0x119: {  	v20 =	vshll.u32 v10, $0x3;
	v14 =	vand.u32 $0xC00, v14;
	v19 =	vand.u32 $0xF000, v2;
	v7 =	vld.idx.msk [tilespmem:v7+s23+$0x0], $0xffff  }
0x11a: {  	v21 =	vshrl.u32 v10, $0x2;
	v10 =	vand.u32 $0xF07F, v10;
	v20 =	vand.u32 $0xC00, v20;
	v22 =	vld.idx.msk [tilespmem:v8+s23+$0x0], $0xffff  }
0x11b: {  	s12 =	sadd.s32 $0x1000, s12;
	v21 =	vand.u32 $0x380, v21;
	v10 =	vor.u32 v20, v10;
	v8 =	vshll.u32 v16, $0x3;
	v20 =	vld.idx.msk [tilespmem:v12+s23+$0x0], $0xffff;
	[tilespmem:s21+$0x10] =	vst v4  }
0x11c: {  	s1 =	sadd.s32 $0x80, s1;
	s3 =	sadd.s32 $0x400, s3;
	s5 =	sand.u32 $0x3000, s12;
	v23 =	vshll.u32 v17, $0x3;
	v21 =	vor.u32 v21, v10;
	v12 =	vshrl.u32 v16, $0x12;
	[tilespmem:s13+$0x30] =	vst v5  }
0x11d: {  	s24 =	sadd.s32 $0x20, s24;
	s8 =	sand.u32 $0x1000, s1;
	s5 =	sshrl.u32 s5, $0x2;
	v24 =	vshrl.u32 v17, $0x12;
	v25 =	vshll.u32 v18, $0x3;
	v26 =	vshrl.u32 v18, $0x12;
	[tilespmem:s13+$0x50] =	vst v3  }
.Ltmp3:
0x11e: {  	s25 =	sand.u32 $0xC00, s3;
	s8 =	sor.u32 $0x1A000, s8;
	v4 =	vor.u32 v11, v13;
	v5 =	vor.u32 v9, v15;
	v3 =	vor.u32 v14, v19;
	[tilespmem:s21+$0x0] =	vst v6;
	(pc) =	sbr.rel @p0 .LBB2_9-.Ltmp3, $4  }
0x11f: {  	s26 =	sand.u32 $0x380, s24;
	s5 =	sor.u32 s5, s8;
	s8 =	sor.u32 s25, s8;
	v10 =	vand.u32 $0x380, v12;
	v6 =	vand.u32 $0xC00, v8;
	v8 =	vand.u32 $0xC00, v23;
	[tilespmem:s13+$0x20] =	vst v7  }
0x120: {  	v9 =	vand.u32 $0xC00, v25;
	v15 =	vand.u32 $0x380, v26;
	v14 =	vand.u32 $0x380, v24;
	s21 =	sor.u32 s26, s5;
	[tilespmem:s13+$0x40] =	vst v22;
	s13 =	sor.u32 s26, s8  }
0x121: {  	v11 =	vshrl.u32 v17, $0x2;
	v12 =	vshrl.u32 v16, $0x2;
	v16 =	vand.u32 $0xF07F, v16;
	v7 =	vld.idx.msk [tilespmem:v21+s23+$0x0], $0xffff;
	[tilespmem:s13+$0x70] =	vst v20  }
0x122: {  	s2 =	sadd.s32 $0x40, s2;
	v17 =	vand.u32 $0xF07F, v17;
	v13 =	vshrl.u32 v18, $0x2;
	v18 =	vand.u32 $0xF07F, v18  }
0x123: {  	v4 =	vor.u32 v10, v4;
	v0 =	vand.u32 $0x7F, v0  }
0x124: {  	v5 =	vor.u32 v14, v5;
	v1 =	vand.u32 $0x7F, v1;
	v0 =	vor.u32 v0, v4  }
0x125: {  	v3 =	vor.u32 v15, v3;
	v2 =	vand.u32 $0x7F, v2;
	v1 =	vor.u32 v1, v5  }
0x126: {  	v4 =	vor.u32 v6, v16;
	v5 =	vand.u32 $0x380, v12;
	v2 =	vor.u32 v2, v3  }
0x127: {  	v3 =	vor.u32 v8, v17;
	v6 =	vand.u32 $0x380, v11;
	v4 =	vor.u32 v5, v4  }
0x128: {  	v8 =	vand.u32 $0x380, v13;
	v5 =	vor.u32 v9, v18;
	v3 =	vor.u32 v6, v3  }
0x129: {  	v5 =	vor.u32 v8, v5;
	v0 =	vld.idx.msk [tilespmem:v0+s23+$0x0], $0xffff  }
0x12a: {  	v1 =	vld.idx.msk [tilespmem:v1+s23+$0x0], $0xffff  }
0x12b: {  	v2 =	vld.idx.msk [tilespmem:v2+s23+$0x0], $0xffff  }
0x12c: {  	v4 =	vld.idx.msk [tilespmem:v4+s23+$0x0], $0xffff  }
0x12d: {  	[tilespmem:s13+$0x60] =	vst v7;
	v3 =	vld.idx.msk [tilespmem:v3+s23+$0x0], $0xffff  }
0x12e: {  	v5 =	vld.idx.msk [tilespmem:v5+s23+$0x0], $0xffff;
	[tilespmem:s21+$0x10] =	vst v0  }
0x12f: {  	[tilespmem:s13+$0x30] =	vst v1  }
0x130: {  	[tilespmem:s13+$0x50] =	vst v2  }
0x131: {  	[tilespmem:s21+$0x0] =	vst v4  }
0x132: {  	[tilespmem:s13+$0x20] =	vst v3  }
0x133: {  	s1 =	sadd.s32 s7, s16;
	s12 =	simm.s32 $0x0;
	[tilespmem:s13+$0x40] =	vst v5  }
0x134: {  	[hbm4b:s1+s12] =	stream.linear.scatter [tilespmem:s30], [sflag:$0x2], $0x2000, $0x38;
	[tilespmem:$0x1C000] =	vst v63  }
0x135: {  	_ =	swait.ge [sflag:s31], $0x2000  }
0x136: {  	[sflag:s31] =	ssyncset.done $0x0  }
0x137: {  	s25 =	sand.u32 $0xFC0, s12;
	[sflag:s31] =	ssyncadd.s32 $0xFFFFE000  }
0x138: {  	v3 =	vld [tilespmem:s25+$0x4030]  }
0x139: {  	v7 =	vld [tilespmem:s25+$0x4000]  }
0x13a: {  	v18 =	vld [tilespmem:s25+$0x4020]  }
0x13b: {  	v13 =	vld [tilespmem:s25+$0x4010];
	_ =	sdelay $0x2  }
0x13c: {  	v1 =	vshrl.u32 v3, $0x10;
	v0 =	vshrl.u32 v3, $0xD  }
0x13d: {  	v5 =	vshrl.u32 v3, $0x12;
	v9 =	vshrl.u32 v18, $0xD;
	v14 =	vshrl.u32 v3, $0x2  }
0x13e: {  	v15 =	vshll.u32 v7, $0x3;
	v16 =	vshrl.u32 v7, $0x12;
	v17 =	vshll.u32 v13, $0x3  }
0x13f: {  	v21 =	vshll.u32 v18, $0x3;
	v2 =	vand.u32 $0xF000, v1;
	v4 =	vand.u32 $0xC00, v0  }
0x140: {  	v22 =	vshrl.u32 v18, $0x12;
	v2 =	vor.u32 v4, v2;
	v4 =	vand.u32 $0x380, v5  }
0x141: {  	v0 =	vshrl.u32 v7, $0x10;
	v6 =	vand.u32 $0x7F, v1;
	v2 =	vor.u32 v4, v2  }
0x142: {  	v1 =	vshrl.u32 v13, $0x10;
	v9 =	vand.u32 $0xC00, v9;
	v6 =	vor.u32 v6, v2  }
0x143: {  	v14 =	vand.u32 $0x380, v14;
	v5 =	vshrl.u32 v7, $0xD;
	v4 =	vshrl.u32 v13, $0xD  }
0x144: {  	v8 =	vand.u32 $0xF000, v0;
	v11 =	vand.u32 $0xC00, v4;
	v4 =	vshll.u32 v3, $0x3  }
0x145: {  	v10 =	vand.u32 $0xF000, v1;
	v3 =	vand.u32 $0xF07F, v3;
	v4 =	vand.u32 $0xC00, v4  }
0x146: {  	v5 =	vand.u32 $0xC00, v5;
	v2 =	vshrl.u32 v18, $0x10;
	v3 =	vor.u32 v4, v3  }
0x147: {  	v12 =	vand.u32 $0xF000, v2;
	v4 =	vor.u32 v5, v8;
	v19 =	vor.u32 v14, v3;
	v20 =	vld.idx.msk [tilespmem:v6+s23+$0x0], $0xffff  }
0x148: {  	s22 =	simm.s32 $0x0;
	s26 =	sand.u32 $0x3000, s12;
	s2 =	sand.u32 $0x1000, s12;
	v5 =	vor.u32 v11, v10;
	v10 =	vand.u32 $0x380, v16;
	v8 =	vand.u32 $0xC00, v17  }
0x149: {  	s3 =	sand.u32 $0xC00, s12;
	s2 =	sor.u32 $0x18000, s2;
	s1 =	sshrl.u32 s26, $0x2;
	v16 =	vand.u32 $0xF07F, v7;
	v11 =	vshrl.u32 v13, $0x2;
	v17 =	vand.u32 $0xF07F, v13  }
0x14a: {  	s5 =	sand.u32 $0x380, s12;
	s1 =	sor.u32 s1, s2;
	s2 =	sor.u32 s3, s2;
	v14 =	vshrl.u32 v13, $0x12;
	v3 =	vor.u32 v9, v12;
	v9 =	vand.u32 $0xC00, v21  }
0x14b: {  	s24 =	simm.s32 $0x0;
	s3 =	simm.s32 $0x0;
	s13 =	sor.u32 s5, s2;
	v12 =	vshrl.u32 v7, $0x2;
	v13 =	vshrl.u32 v18, $0x2;
	v18 =	vand.u32 $0xF07F, v18  }
0x14c: {  	s21 =	sor.u32 s5, s1;
	s2 =	simm.s32 $0x40;
	s1 =	simm.s32 $0x0;
	v14 =	vand.u32 $0x380, v14;
	v6 =	vand.u32 $0xC00, v15;
	v15 =	vand.u32 $0x380, v22;
	v7 =	vld.idx.msk [tilespmem:v19+s23+$0x0], $0xffff;
	[tilespmem:s13+$0x70] =	vst v20  }
.LBB2_11:
0x14d: {  	s5 =	sand.u32 $0xFC0, s2;
	s22 =	sadd.s32 $0x4, s22;
	v4 =	vor.u32 v10, v4;
	v5 =	vor.u32 v14, v5;
	v3 =	vor.u32 v15, v3  }
0x14e: {  	v6 =	vor.u32 v6, v16;
	v8 =	vor.u32 v8, v17;
	v9 =	vor.u32 v9, v18;
	v10 =	vld [tilespmem:s5+$0x4030];
	p0 =	slt.u32 s22, $0xFC  }
0x14f: {  	v12 =	vand.u32 $0x380, v12;
	v0 =	vand.u32 $0x7F, v0;
	v11 =	vand.u32 $0x380, v11;
	v16 =	vld [tilespmem:s5+$0x4000]  }
0x150: {  	v1 =	vand.u32 $0x7F, v1;
	v13 =	vand.u32 $0x380, v13;
	v2 =	vand.u32 $0x7F, v2;
	v17 =	vld [tilespmem:s5+$0x4010]  }
0x151: {  	v4 =	vor.u32 v0, v4;
	v5 =	vor.u32 v1, v5;
	v3 =	vor.u32 v2, v3;
	v18 =	vld [tilespmem:s5+$0x4020];
	[tilespmem:s13+$0x60] =	vst v7  }
0x152: {  	v6 =	vor.u32 v12, v6;
	v7 =	vor.u32 v11, v8;
	v8 =	vor.u32 v13, v9  }
0x153: {  	v1 =	vshrl.u32 v10, $0x10;
	v0 =	vshrl.u32 v10, $0xD  }
0x154: {  	v11 =	vshrl.u32 v10, $0x12;
	v2 =	vand.u32 $0xF000, v1;
	v9 =	vand.u32 $0xC00, v0  }
0x155: {  	v0 =	vshrl.u32 v16, $0x10;
	v2 =	vor.u32 v9, v2;
	v9 =	vand.u32 $0x380, v11  }
0x156: {  	v12 =	vand.u32 $0x7F, v1;
	v11 =	vshrl.u32 v16, $0xD;
	v2 =	vor.u32 v9, v2;
	v4 =	vld.idx.msk [tilespmem:v4+s23+$0x0], $0xffff  }
0x157: {  	v1 =	vshrl.u32 v17, $0x10;
	v9 =	vshrl.u32 v17, $0xD;
	v12 =	vor.u32 v12, v2;
	v5 =	vld.idx.msk [tilespmem:v5+s23+$0x0], $0xffff  }
0x158: {  	v13 =	vand.u32 $0xF000, v0;
	v14 =	vshrl.u32 v18, $0xD;
	v2 =	vshrl.u32 v18, $0x10;
	v3 =	vld.idx.msk [tilespmem:v3+s23+$0x0], $0xffff  }
0x159: {  	v11 =	vand.u32 $0xC00, v11;
	v15 =	vand.u32 $0xF000, v1;
	v9 =	vand.u32 $0xC00, v9;
	v6 =	vld.idx.msk [tilespmem:v6+s23+$0x0], $0xffff  }
0x15a: {  	v20 =	vshll.u32 v10, $0x3;
	v14 =	vand.u32 $0xC00, v14;
	v19 =	vand.u32 $0xF000, v2;
	v7 =	vld.idx.msk [tilespmem:v7+s23+$0x0], $0xffff  }
0x15b: {  	v21 =	vshrl.u32 v10, $0x2;
	v10 =	vand.u32 $0xF07F, v10;
	v20 =	vand.u32 $0xC00, v20;
	v22 =	vld.idx.msk [tilespmem:v8+s23+$0x0], $0xffff  }
0x15c: {  	s12 =	sadd.s32 $0x1000, s12;
	v21 =	vand.u32 $0x380, v21;
	v10 =	vor.u32 v20, v10;
	v8 =	vshll.u32 v16, $0x3;
	v20 =	vld.idx.msk [tilespmem:v12+s23+$0x0], $0xffff;
	[tilespmem:s21+$0x10] =	vst v4  }
0x15d: {  	s1 =	sadd.s32 $0x80, s1;
	s3 =	sadd.s32 $0x400, s3;
	s5 =	sand.u32 $0x3000, s12;
	v23 =	vshll.u32 v17, $0x3;
	v21 =	vor.u32 v21, v10;
	v12 =	vshrl.u32 v16, $0x12;
	[tilespmem:s13+$0x30] =	vst v5  }
0x15e: {  	s24 =	sadd.s32 $0x20, s24;
	s8 =	sand.u32 $0x1000, s1;
	s5 =	sshrl.u32 s5, $0x2;
	v24 =	vshrl.u32 v17, $0x12;
	v25 =	vshll.u32 v18, $0x3;
	v26 =	vshrl.u32 v18, $0x12;
	[tilespmem:s13+$0x50] =	vst v3  }
.Ltmp4:
0x15f: {  	s25 =	sand.u32 $0xC00, s3;
	s8 =	sor.u32 $0x18000, s8;
	v4 =	vor.u32 v11, v13;
	v5 =	vor.u32 v9, v15;
	v3 =	vor.u32 v14, v19;
	[tilespmem:s21+$0x0] =	vst v6;
	(pc) =	sbr.rel @p0 .LBB2_11-.Ltmp4, $4  }
0x160: {  	s26 =	sand.u32 $0x380, s24;
	s5 =	sor.u32 s5, s8;
	s8 =	sor.u32 s25, s8;
	v10 =	vand.u32 $0x380, v12;
	v6 =	vand.u32 $0xC00, v8;
	v8 =	vand.u32 $0xC00, v23;
	[tilespmem:s13+$0x20] =	vst v7  }
0x161: {  	v9 =	vand.u32 $0xC00, v25;
	v15 =	vand.u32 $0x380, v26;
	v14 =	vand.u32 $0x380, v24;
	s21 =	sor.u32 s26, s5;
	[tilespmem:s13+$0x40] =	vst v22;
	s13 =	sor.u32 s26, s8  }
0x162: {  	v11 =	vshrl.u32 v17, $0x2;
	v12 =	vshrl.u32 v16, $0x2;
	v16 =	vand.u32 $0xF07F, v16;
	v7 =	vld.idx.msk [tilespmem:v21+s23+$0x0], $0xffff;
	[tilespmem:s13+$0x70] =	vst v20  }
0x163: {  	s2 =	sadd.s32 $0x40, s2;
	v17 =	vand.u32 $0xF07F, v17;
	v13 =	vshrl.u32 v18, $0x2;
	v18 =	vand.u32 $0xF07F, v18  }
0x164: {  	v4 =	vor.u32 v10, v4;
	v0 =	vand.u32 $0x7F, v0  }
0x165: {  	v5 =	vor.u32 v14, v5;
	v1 =	vand.u32 $0x7F, v1;
	v0 =	vor.u32 v0, v4  }
0x166: {  	v3 =	vor.u32 v15, v3;
	v2 =	vand.u32 $0x7F, v2;
	v1 =	vor.u32 v1, v5  }
0x167: {  	v4 =	vor.u32 v6, v16;
	v5 =	vand.u32 $0x380, v12;
	v2 =	vor.u32 v2, v3  }
0x168: {  	v3 =	vor.u32 v8, v17;
	v6 =	vand.u32 $0x380, v11;
	v4 =	vor.u32 v5, v4  }
0x169: {  	v8 =	vand.u32 $0x380, v13;
	v5 =	vor.u32 v9, v18;
	v3 =	vor.u32 v6, v3  }
0x16a: {  	v5 =	vor.u32 v8, v5;
	v0 =	vld.idx.msk [tilespmem:v0+s23+$0x0], $0xffff  }
0x16b: {  	v1 =	vld.idx.msk [tilespmem:v1+s23+$0x0], $0xffff  }
0x16c: {  	v2 =	vld.idx.msk [tilespmem:v2+s23+$0x0], $0xffff  }
0x16d: {  	v4 =	vld.idx.msk [tilespmem:v4+s23+$0x0], $0xffff  }
0x16e: {  	[tilespmem:s13+$0x60] =	vst v7;
	v3 =	vld.idx.msk [tilespmem:v3+s23+$0x0], $0xffff  }
0x16f: {  	v5 =	vld.idx.msk [tilespmem:v5+s23+$0x0], $0xffff;
	[tilespmem:s21+$0x10] =	vst v0  }
0x170: {  	[tilespmem:s13+$0x30] =	vst v1  }
0x171: {  	[tilespmem:s13+$0x50] =	vst v2  }
0x172: {  	[tilespmem:s21+$0x0] =	vst v4  }
0x173: {  	[tilespmem:s13+$0x20] =	vst v3  }
0x174: {  	s1 =	sadd.s32 s7, s17;
	s12 =	simm.s32 $0x0;
	[tilespmem:s13+$0x40] =	vst v5  }
0x175: {  	[hbm4b:s1+s12] =	stream.linear.scatter [tilespmem:s29], [sflag:$0x1], $0x2000, $0x38;
	[tilespmem:$0x1C000] =	vst v63  }
0x176: {  	s22 =	sadd.s32 s9, s11;
	s2 =	simm.s32 $0xC000  }
0x177: {  	[tilespmem:s2], [sflag:$0x3] =	stream.linear.gather [hbm4b:s22+s12], $0x4000, $0x38;
	[tilespmem:$0x1C000] =	vst v63  }
0x178: {  	_ =	swait.ge [sflag:s28], $0x4000  }
0x179: {  	[sflag:s28] =	ssyncset.done $0x0  }
0x17a: {  	[sflag:s28] =	ssyncadd.s32 $0xFFFFC000  }
0x17b: {  	_ =	swait.ge [sflag:s0], $0x2000  }
0x17c: {  	[sflag:s0] =	ssyncset.done $0x0  }
0x17d: {  	s24 =	sand.u32 $0xFC0, s12;
	[sflag:s0] =	ssyncadd.s32 $0xFFFFE000  }
0x17e: {  	v3 =	vld [tilespmem:s24+$0x5030]  }
0x17f: {  	v7 =	vld [tilespmem:s24+$0x5000]  }
0x180: {  	v18 =	vld [tilespmem:s24+$0x5020]  }
0x181: {  	v13 =	vld [tilespmem:s24+$0x5010];
	_ =	sdelay $0x2  }
0x182: {  	v1 =	vshrl.u32 v3, $0x10;
	v0 =	vshrl.u32 v3, $0xD  }
0x183: {  	v5 =	vshrl.u32 v3, $0x12;
	v9 =	vshrl.u32 v18, $0xD;
	v14 =	vshrl.u32 v3, $0x2  }
0x184: {  	v15 =	vshll.u32 v7, $0x3;
	v16 =	vshrl.u32 v7, $0x12;
	v17 =	vshll.u32 v13, $0x3  }
0x185: {  	v21 =	vshll.u32 v18, $0x3;
	v2 =	vand.u32 $0xF000, v1;
	v4 =	vand.u32 $0xC00, v0  }
0x186: {  	v22 =	vshrl.u32 v18, $0x12;
	v2 =	vor.u32 v4, v2;
	v4 =	vand.u32 $0x380, v5  }
0x187: {  	v0 =	vshrl.u32 v7, $0x10;
	v6 =	vand.u32 $0x7F, v1;
	v2 =	vor.u32 v4, v2  }
0x188: {  	v1 =	vshrl.u32 v13, $0x10;
	v9 =	vand.u32 $0xC00, v9;
	v6 =	vor.u32 v6, v2  }
0x189: {  	v14 =	vand.u32 $0x380, v14;
	v5 =	vshrl.u32 v7, $0xD;
	v4 =	vshrl.u32 v13, $0xD  }
0x18a: {  	v8 =	vand.u32 $0xF000, v0;
	v11 =	vand.u32 $0xC00, v4;
	v4 =	vshll.u32 v3, $0x3  }
0x18b: {  	v10 =	vand.u32 $0xF000, v1;
	v3 =	vand.u32 $0xF07F, v3;
	v4 =	vand.u32 $0xC00, v4  }
0x18c: {  	v5 =	vand.u32 $0xC00, v5;
	v2 =	vshrl.u32 v18, $0x10;
	v3 =	vor.u32 v4, v3  }
0x18d: {  	v12 =	vand.u32 $0xF000, v2;
	v4 =	vor.u32 v5, v8;
	v19 =	vor.u32 v14, v3;
	v20 =	vld.idx.msk [tilespmem:v6+s23+$0x0], $0xffff  }
0x18e: {  	s25 =	sand.u32 $0x3000, s12;
	s26 =	sand.u32 $0x1000, s12;
	s3 =	sand.u32 $0xC00, s12;
	v5 =	vor.u32 v11, v10;
	v10 =	vand.u32 $0x380, v16;
	v8 =	vand.u32 $0xC00, v17  }
0x18f: {  	s5 =	sand.u32 $0x380, s12;
	s1 =	sshrl.u32 s25, $0x2;
	s2 =	sor.u32 $0x1A000, s26;
	v16 =	vand.u32 $0xF07F, v7;
	v11 =	vshrl.u32 v13, $0x2;
	v17 =	vand.u32 $0xF07F, v13  }
0x190: {  	s22 =	simm.s32 $0x0;
	s1 =	sor.u32 s1, s2;
	s2 =	sor.u32 s3, s2;
	v14 =	vshrl.u32 v13, $0x12;
	v3 =	vor.u32 v9, v12;
	v9 =	vand.u32 $0xC00, v21  }
0x191: {  	s3 =	simm.s32 $0x0;
	s21 =	sor.u32 s5, s1;
	s13 =	sor.u32 s5, s2;
	v12 =	vshrl.u32 v7, $0x2;
	v13 =	vshrl.u32 v18, $0x2;
	v18 =	vand.u32 $0xF07F, v18  }
0x192: {  	s2 =	simm.s32 $0x40;
	s1 =	simm.s32 $0x0;
	s24 =	simm.s32 $0x0;
	v14 =	vand.u32 $0x380, v14;
	v6 =	vand.u32 $0xC00, v15;
	v15 =	vand.u32 $0x380, v22;
	v7 =	vld.idx.msk [tilespmem:v19+s23+$0x0], $0xffff;
	[tilespmem:s13+$0x70] =	vst v20  }
.LBB2_13:
0x193: {  	s5 =	sand.u32 $0xFC0, s2;
	s22 =	sadd.s32 $0x4, s22;
	v4 =	vor.u32 v10, v4;
	v5 =	vor.u32 v14, v5;
	v3 =	vor.u32 v15, v3  }
0x194: {  	v6 =	vor.u32 v6, v16;
	v8 =	vor.u32 v8, v17;
	v9 =	vor.u32 v9, v18;
	v10 =	vld [tilespmem:s5+$0x5030];
	p0 =	slt.u32 s22, $0xFC  }
0x195: {  	v12 =	vand.u32 $0x380, v12;
	v0 =	vand.u32 $0x7F, v0;
	v11 =	vand.u32 $0x380, v11;
	v16 =	vld [tilespmem:s5+$0x5000]  }
0x196: {  	v1 =	vand.u32 $0x7F, v1;
	v13 =	vand.u32 $0x380, v13;
	v2 =	vand.u32 $0x7F, v2;
	v17 =	vld [tilespmem:s5+$0x5010]  }
0x197: {  	v4 =	vor.u32 v0, v4;
	v5 =	vor.u32 v1, v5;
	v3 =	vor.u32 v2, v3;
	v18 =	vld [tilespmem:s5+$0x5020];
	[tilespmem:s13+$0x60] =	vst v7  }
0x198: {  	v6 =	vor.u32 v12, v6;
	v7 =	vor.u32 v11, v8;
	v8 =	vor.u32 v13, v9  }
0x199: {  	v1 =	vshrl.u32 v10, $0x10;
	v0 =	vshrl.u32 v10, $0xD  }
0x19a: {  	v11 =	vshrl.u32 v10, $0x12;
	v2 =	vand.u32 $0xF000, v1;
	v9 =	vand.u32 $0xC00, v0  }
0x19b: {  	v0 =	vshrl.u32 v16, $0x10;
	v2 =	vor.u32 v9, v2;
	v9 =	vand.u32 $0x380, v11  }
0x19c: {  	v12 =	vand.u32 $0x7F, v1;
	v11 =	vshrl.u32 v16, $0xD;
	v2 =	vor.u32 v9, v2;
	v4 =	vld.idx.msk [tilespmem:v4+s23+$0x0], $0xffff  }
0x19d: {  	v1 =	vshrl.u32 v17, $0x10;
	v9 =	vshrl.u32 v17, $0xD;
	v12 =	vor.u32 v12, v2;
	v5 =	vld.idx.msk [tilespmem:v5+s23+$0x0], $0xffff  }
0x19e: {  	v13 =	vand.u32 $0xF000, v0;
	v14 =	vshrl.u32 v18, $0xD;
	v2 =	vshrl.u32 v18, $0x10;
	v3 =	vld.idx.msk [tilespmem:v3+s23+$0x0], $0xffff  }
0x19f: {  	v11 =	vand.u32 $0xC00, v11;
	v15 =	vand.u32 $0xF000, v1;
	v9 =	vand.u32 $0xC00, v9;
	v6 =	vld.idx.msk [tilespmem:v6+s23+$0x0], $0xffff  }
0x1a0: {  	v20 =	vshll.u32 v10, $0x3;
	v14 =	vand.u32 $0xC00, v14;
	v19 =	vand.u32 $0xF000, v2;
	v7 =	vld.idx.msk [tilespmem:v7+s23+$0x0], $0xffff  }
0x1a1: {  	v21 =	vshrl.u32 v10, $0x2;
	v10 =	vand.u32 $0xF07F, v10;
	v20 =	vand.u32 $0xC00, v20;
	v22 =	vld.idx.msk [tilespmem:v8+s23+$0x0], $0xffff  }
0x1a2: {  	s12 =	sadd.s32 $0x1000, s12;
	v21 =	vand.u32 $0x380, v21;
	v10 =	vor.u32 v20, v10;
	v8 =	vshll.u32 v16, $0x3;
	v20 =	vld.idx.msk [tilespmem:v12+s23+$0x0], $0xffff;
	[tilespmem:s21+$0x10] =	vst v4  }
0x1a3: {  	s1 =	sadd.s32 $0x80, s1;
	s3 =	sadd.s32 $0x400, s3;
	s5 =	sand.u32 $0x3000, s12;
	v23 =	vshll.u32 v17, $0x3;
	v21 =	vor.u32 v21, v10;
	v12 =	vshrl.u32 v16, $0x12;
	[tilespmem:s13+$0x30] =	vst v5  }
0x1a4: {  	s24 =	sadd.s32 $0x20, s24;
	s8 =	sand.u32 $0x1000, s1;
	s5 =	sshrl.u32 s5, $0x2;
	v24 =	vshrl.u32 v17, $0x12;
	v25 =	vshll.u32 v18, $0x3;
	v26 =	vshrl.u32 v18, $0x12;
	[tilespmem:s13+$0x50] =	vst v3  }
.Ltmp5:
0x1a5: {  	s25 =	sand.u32 $0xC00, s3;
	s8 =	sor.u32 $0x1A000, s8;
	v4 =	vor.u32 v11, v13;
	v5 =	vor.u32 v9, v15;
	v3 =	vor.u32 v14, v19;
	[tilespmem:s21+$0x0] =	vst v6;
	(pc) =	sbr.rel @p0 .LBB2_13-.Ltmp5, $4  }
0x1a6: {  	s26 =	sand.u32 $0x380, s24;
	s5 =	sor.u32 s5, s8;
	s8 =	sor.u32 s25, s8;
	v10 =	vand.u32 $0x380, v12;
	v6 =	vand.u32 $0xC00, v8;
	v8 =	vand.u32 $0xC00, v23;
	[tilespmem:s13+$0x20] =	vst v7  }
0x1a7: {  	v9 =	vand.u32 $0xC00, v25;
	v15 =	vand.u32 $0x380, v26;
	v14 =	vand.u32 $0x380, v24;
	s21 =	sor.u32 s26, s5;
	[tilespmem:s13+$0x40] =	vst v22;
	s13 =	sor.u32 s26, s8  }
0x1a8: {  	v11 =	vshrl.u32 v17, $0x2;
	v12 =	vshrl.u32 v16, $0x2;
	v16 =	vand.u32 $0xF07F, v16;
	v7 =	vld.idx.msk [tilespmem:v21+s23+$0x0], $0xffff;
	[tilespmem:s13+$0x70] =	vst v20  }
0x1a9: {  	s2 =	sadd.s32 $0x40, s2;
	v17 =	vand.u32 $0xF07F, v17;
	v13 =	vshrl.u32 v18, $0x2;
	v18 =	vand.u32 $0xF07F, v18  }
0x1aa: {  	v4 =	vor.u32 v10, v4;
	v0 =	vand.u32 $0x7F, v0  }
0x1ab: {  	v5 =	vor.u32 v14, v5;
	v1 =	vand.u32 $0x7F, v1;
	v0 =	vor.u32 v0, v4  }
0x1ac: {  	v3 =	vor.u32 v15, v3;
	v2 =	vand.u32 $0x7F, v2;
	v1 =	vor.u32 v1, v5  }
0x1ad: {  	v4 =	vor.u32 v6, v16;
	v5 =	vand.u32 $0x380, v12;
	v2 =	vor.u32 v2, v3  }
0x1ae: {  	v3 =	vor.u32 v8, v17;
	v6 =	vand.u32 $0x380, v11;
	v4 =	vor.u32 v5, v4  }
0x1af: {  	v8 =	vand.u32 $0x380, v13;
	v5 =	vor.u32 v9, v18;
	v3 =	vor.u32 v6, v3  }
0x1b0: {  	v5 =	vor.u32 v8, v5;
	v0 =	vld.idx.msk [tilespmem:v0+s23+$0x0], $0xffff  }
0x1b1: {  	v1 =	vld.idx.msk [tilespmem:v1+s23+$0x0], $0xffff  }
0x1b2: {  	v2 =	vld.idx.msk [tilespmem:v2+s23+$0x0], $0xffff  }
0x1b3: {  	v4 =	vld.idx.msk [tilespmem:v4+s23+$0x0], $0xffff  }
0x1b4: {  	[tilespmem:s13+$0x60] =	vst v7;
	v3 =	vld.idx.msk [tilespmem:v3+s23+$0x0], $0xffff  }
0x1b5: {  	v5 =	vld.idx.msk [tilespmem:v5+s23+$0x0], $0xffff;
	[tilespmem:s21+$0x10] =	vst v0  }
0x1b6: {  	[tilespmem:s13+$0x30] =	vst v1  }
0x1b7: {  	[tilespmem:s13+$0x50] =	vst v2  }
0x1b8: {  	[tilespmem:s21+$0x0] =	vst v4  }
0x1b9: {  	[tilespmem:s13+$0x20] =	vst v3  }
0x1ba: {  	s1 =	sadd.s32 s7, s18;
	s12 =	simm.s32 $0x0;
	[tilespmem:s13+$0x40] =	vst v5  }
0x1bb: {  	[hbm4b:s1+s12] =	stream.linear.scatter [tilespmem:s30], [sflag:$0x2], $0x2000, $0x38;
	[tilespmem:$0x1C000] =	vst v63  }
0x1bc: {  	_ =	swait.ge [sflag:s31], $0x2000  }
0x1bd: {  	[sflag:s31] =	ssyncset.done $0x0  }
0x1be: {  	s25 =	sand.u32 $0xFC0, s12;
	[sflag:s31] =	ssyncadd.s32 $0xFFFFE000  }
0x1bf: {  	v3 =	vld [tilespmem:s25+$0x6030]  }
0x1c0: {  	v7 =	vld [tilespmem:s25+$0x6000]  }
0x1c1: {  	v18 =	vld [tilespmem:s25+$0x6020]  }
0x1c2: {  	v13 =	vld [tilespmem:s25+$0x6010];
	_ =	sdelay $0x2  }
0x1c3: {  	v1 =	vshrl.u32 v3, $0x10;
	v0 =	vshrl.u32 v3, $0xD  }
0x1c4: {  	v5 =	vshrl.u32 v3, $0x12;
	v9 =	vshrl.u32 v18, $0xD;
	v14 =	vshrl.u32 v3, $0x2  }
0x1c5: {  	v15 =	vshll.u32 v7, $0x3;
	v16 =	vshrl.u32 v7, $0x12;
	v17 =	vshll.u32 v13, $0x3  }
0x1c6: {  	v21 =	vshll.u32 v18, $0x3;
	v2 =	vand.u32 $0xF000, v1;
	v4 =	vand.u32 $0xC00, v0  }
0x1c7: {  	v22 =	vshrl.u32 v18, $0x12;
	v2 =	vor.u32 v4, v2;
	v4 =	vand.u32 $0x380, v5  }
0x1c8: {  	v0 =	vshrl.u32 v7, $0x10;
	v6 =	vand.u32 $0x7F, v1;
	v2 =	vor.u32 v4, v2  }
0x1c9: {  	v1 =	vshrl.u32 v13, $0x10;
	v9 =	vand.u32 $0xC00, v9;
	v6 =	vor.u32 v6, v2  }
0x1ca: {  	v14 =	vand.u32 $0x380, v14;
	v5 =	vshrl.u32 v7, $0xD;
	v4 =	vshrl.u32 v13, $0xD  }
0x1cb: {  	v8 =	vand.u32 $0xF000, v0;
	v11 =	vand.u32 $0xC00, v4;
	v4 =	vshll.u32 v3, $0x3  }
0x1cc: {  	v10 =	vand.u32 $0xF000, v1;
	v3 =	vand.u32 $0xF07F, v3;
	v4 =	vand.u32 $0xC00, v4  }
0x1cd: {  	v5 =	vand.u32 $0xC00, v5;
	v2 =	vshrl.u32 v18, $0x10;
	v3 =	vor.u32 v4, v3  }
0x1ce: {  	v12 =	vand.u32 $0xF000, v2;
	v4 =	vor.u32 v5, v8;
	v19 =	vor.u32 v14, v3;
	v20 =	vld.idx.msk [tilespmem:v6+s23+$0x0], $0xffff  }
0x1cf: {  	s22 =	simm.s32 $0x0;
	s26 =	sand.u32 $0x3000, s12;
	s2 =	sand.u32 $0x1000, s12;
	v5 =	vor.u32 v11, v10;
	v10 =	vand.u32 $0x380, v16;
	v8 =	vand.u32 $0xC00, v17  }
0x1d0: {  	s3 =	sand.u32 $0xC00, s12;
	s2 =	sor.u32 $0x18000, s2;
	s1 =	sshrl.u32 s26, $0x2;
	v16 =	vand.u32 $0xF07F, v7;
	v11 =	vshrl.u32 v13, $0x2;
	v17 =	vand.u32 $0xF07F, v13  }
0x1d1: {  	s5 =	sand.u32 $0x380, s12;
	s1 =	sor.u32 s1, s2;
	s2 =	sor.u32 s3, s2;
	v14 =	vshrl.u32 v13, $0x12;
	v3 =	vor.u32 v9, v12;
	v9 =	vand.u32 $0xC00, v21  }
0x1d2: {  	s24 =	simm.s32 $0x0;
	s3 =	simm.s32 $0x0;
	s13 =	sor.u32 s5, s2;
	v12 =	vshrl.u32 v7, $0x2;
	v13 =	vshrl.u32 v18, $0x2;
	v18 =	vand.u32 $0xF07F, v18  }
0x1d3: {  	s21 =	sor.u32 s5, s1;
	s2 =	simm.s32 $0x40;
	s1 =	simm.s32 $0x0;
	v14 =	vand.u32 $0x380, v14;
	v6 =	vand.u32 $0xC00, v15;
	v15 =	vand.u32 $0x380, v22;
	v7 =	vld.idx.msk [tilespmem:v19+s23+$0x0], $0xffff;
	[tilespmem:s13+$0x70] =	vst v20  }
.LBB2_15:
0x1d4: {  	s5 =	sand.u32 $0xFC0, s2;
	s22 =	sadd.s32 $0x4, s22;
	v4 =	vor.u32 v10, v4;
	v5 =	vor.u32 v14, v5;
	v3 =	vor.u32 v15, v3  }
0x1d5: {  	v6 =	vor.u32 v6, v16;
	v8 =	vor.u32 v8, v17;
	v9 =	vor.u32 v9, v18;
	v10 =	vld [tilespmem:s5+$0x6030];
	p0 =	slt.u32 s22, $0xFC  }
0x1d6: {  	v12 =	vand.u32 $0x380, v12;
	v0 =	vand.u32 $0x7F, v0;
	v11 =	vand.u32 $0x380, v11;
	v16 =	vld [tilespmem:s5+$0x6000]  }
0x1d7: {  	v1 =	vand.u32 $0x7F, v1;
	v13 =	vand.u32 $0x380, v13;
	v2 =	vand.u32 $0x7F, v2;
	v17 =	vld [tilespmem:s5+$0x6010]  }
0x1d8: {  	v4 =	vor.u32 v0, v4;
	v5 =	vor.u32 v1, v5;
	v3 =	vor.u32 v2, v3;
	v18 =	vld [tilespmem:s5+$0x6020];
	[tilespmem:s13+$0x60] =	vst v7  }
0x1d9: {  	v6 =	vor.u32 v12, v6;
	v7 =	vor.u32 v11, v8;
	v8 =	vor.u32 v13, v9  }
0x1da: {  	v1 =	vshrl.u32 v10, $0x10;
	v0 =	vshrl.u32 v10, $0xD  }
0x1db: {  	v11 =	vshrl.u32 v10, $0x12;
	v2 =	vand.u32 $0xF000, v1;
	v9 =	vand.u32 $0xC00, v0  }
0x1dc: {  	v0 =	vshrl.u32 v16, $0x10;
	v2 =	vor.u32 v9, v2;
	v9 =	vand.u32 $0x380, v11  }
0x1dd: {  	v12 =	vand.u32 $0x7F, v1;
	v11 =	vshrl.u32 v16, $0xD;
	v2 =	vor.u32 v9, v2;
	v4 =	vld.idx.msk [tilespmem:v4+s23+$0x0], $0xffff  }
0x1de: {  	v1 =	vshrl.u32 v17, $0x10;
	v9 =	vshrl.u32 v17, $0xD;
	v12 =	vor.u32 v12, v2;
	v5 =	vld.idx.msk [tilespmem:v5+s23+$0x0], $0xffff  }
0x1df: {  	v13 =	vand.u32 $0xF000, v0;
	v14 =	vshrl.u32 v18, $0xD;
	v2 =	vshrl.u32 v18, $0x10;
	v3 =	vld.idx.msk [tilespmem:v3+s23+$0x0], $0xffff  }
0x1e0: {  	v11 =	vand.u32 $0xC00, v11;
	v15 =	vand.u32 $0xF000, v1;
	v9 =	vand.u32 $0xC00, v9;
	v6 =	vld.idx.msk [tilespmem:v6+s23+$0x0], $0xffff  }
0x1e1: {  	v20 =	vshll.u32 v10, $0x3;
	v14 =	vand.u32 $0xC00, v14;
	v19 =	vand.u32 $0xF000, v2;
	v7 =	vld.idx.msk [tilespmem:v7+s23+$0x0], $0xffff  }
0x1e2: {  	v21 =	vshrl.u32 v10, $0x2;
	v10 =	vand.u32 $0xF07F, v10;
	v20 =	vand.u32 $0xC00, v20;
	v22 =	vld.idx.msk [tilespmem:v8+s23+$0x0], $0xffff  }
0x1e3: {  	s12 =	sadd.s32 $0x1000, s12;
	v21 =	vand.u32 $0x380, v21;
	v10 =	vor.u32 v20, v10;
	v8 =	vshll.u32 v16, $0x3;
	v20 =	vld.idx.msk [tilespmem:v12+s23+$0x0], $0xffff;
	[tilespmem:s21+$0x10] =	vst v4  }
0x1e4: {  	s1 =	sadd.s32 $0x80, s1;
	s3 =	sadd.s32 $0x400, s3;
	s5 =	sand.u32 $0x3000, s12;
	v23 =	vshll.u32 v17, $0x3;
	v21 =	vor.u32 v21, v10;
	v12 =	vshrl.u32 v16, $0x12;
	[tilespmem:s13+$0x30] =	vst v5  }
0x1e5: {  	s24 =	sadd.s32 $0x20, s24;
	s8 =	sand.u32 $0x1000, s1;
	s5 =	sshrl.u32 s5, $0x2;
	v24 =	vshrl.u32 v17, $0x12;
	v25 =	vshll.u32 v18, $0x3;
	v26 =	vshrl.u32 v18, $0x12;
	[tilespmem:s13+$0x50] =	vst v3  }
.Ltmp6:
0x1e6: {  	s25 =	sand.u32 $0xC00, s3;
	s8 =	sor.u32 $0x18000, s8;
	v4 =	vor.u32 v11, v13;
	v5 =	vor.u32 v9, v15;
	v3 =	vor.u32 v14, v19;
	[tilespmem:s21+$0x0] =	vst v6;
	(pc) =	sbr.rel @p0 .LBB2_15-.Ltmp6, $4  }
0x1e7: {  	s26 =	sand.u32 $0x380, s24;
	s5 =	sor.u32 s5, s8;
	s8 =	sor.u32 s25, s8;
	v10 =	vand.u32 $0x380, v12;
	v6 =	vand.u32 $0xC00, v8;
	v8 =	vand.u32 $0xC00, v23;
	[tilespmem:s13+$0x20] =	vst v7  }
0x1e8: {  	v9 =	vand.u32 $0xC00, v25;
	v15 =	vand.u32 $0x380, v26;
	v14 =	vand.u32 $0x380, v24;
	s21 =	sor.u32 s26, s5;
	[tilespmem:s13+$0x40] =	vst v22;
	s13 =	sor.u32 s26, s8  }
0x1e9: {  	v11 =	vshrl.u32 v17, $0x2;
	v12 =	vshrl.u32 v16, $0x2;
	v16 =	vand.u32 $0xF07F, v16;
	v7 =	vld.idx.msk [tilespmem:v21+s23+$0x0], $0xffff;
	[tilespmem:s13+$0x70] =	vst v20  }
0x1ea: {  	s2 =	sadd.s32 $0x40, s2;
	v17 =	vand.u32 $0xF07F, v17;
	v13 =	vshrl.u32 v18, $0x2;
	v18 =	vand.u32 $0xF07F, v18  }
0x1eb: {  	v4 =	vor.u32 v10, v4;
	v0 =	vand.u32 $0x7F, v0  }
0x1ec: {  	v5 =	vor.u32 v14, v5;
	v1 =	vand.u32 $0x7F, v1;
	v0 =	vor.u32 v0, v4  }
0x1ed: {  	v3 =	vor.u32 v15, v3;
	v2 =	vand.u32 $0x7F, v2;
	v1 =	vor.u32 v1, v5  }
0x1ee: {  	v4 =	vor.u32 v6, v16;
	v5 =	vand.u32 $0x380, v12;
	v2 =	vor.u32 v2, v3  }
0x1ef: {  	v3 =	vor.u32 v8, v17;
	v6 =	vand.u32 $0x380, v11;
	v4 =	vor.u32 v5, v4  }
0x1f0: {  	v8 =	vand.u32 $0x380, v13;
	v5 =	vor.u32 v9, v18;
	v3 =	vor.u32 v6, v3  }
0x1f1: {  	v5 =	vor.u32 v8, v5;
	v0 =	vld.idx.msk [tilespmem:v0+s23+$0x0], $0xffff  }
0x1f2: {  	v1 =	vld.idx.msk [tilespmem:v1+s23+$0x0], $0xffff  }
0x1f3: {  	v2 =	vld.idx.msk [tilespmem:v2+s23+$0x0], $0xffff  }
0x1f4: {  	v4 =	vld.idx.msk [tilespmem:v4+s23+$0x0], $0xffff  }
0x1f5: {  	[tilespmem:s13+$0x60] =	vst v7;
	v3 =	vld.idx.msk [tilespmem:v3+s23+$0x0], $0xffff  }
0x1f6: {  	v5 =	vld.idx.msk [tilespmem:v5+s23+$0x0], $0xffff;
	[tilespmem:s21+$0x10] =	vst v0  }
0x1f7: {  	[tilespmem:s13+$0x30] =	vst v1  }
0x1f8: {  	[tilespmem:s13+$0x50] =	vst v2  }
0x1f9: {  	[tilespmem:s21+$0x0] =	vst v4  }
0x1fa: {  	[tilespmem:s13+$0x20] =	vst v3  }
0x1fb: {  	s1 =	sadd.s32 s7, s19;
	s12 =	simm.s32 $0x0;
	[tilespmem:s13+$0x40] =	vst v5  }
0x1fc: {  	[hbm4b:s1+s12] =	stream.linear.scatter [tilespmem:s29], [sflag:$0x1], $0x2000, $0x38;
	[tilespmem:$0x1C000] =	vst v63  }
0x1fd: {  	s22 =	sadd.s32 s9, s14;
	s2 =	simm.s32 $0x10000  }
0x1fe: {  	[tilespmem:s2], [sflag:$0x3] =	stream.linear.gather [hbm4b:s22+s12], $0x4000, $0x38;
	[tilespmem:$0x1C000] =	vst v63  }
0x1ff: {  	_ =	swait.ge [sflag:s0], $0x2000  }
0x200: {  	[sflag:s0] =	ssyncset.done $0x0  }
0x201: {  	s24 =	sand.u32 $0xFC0, s12;
	[sflag:s0] =	ssyncadd.s32 $0xFFFFE000  }
0x202: {  	v3 =	vld [tilespmem:s24+$0x7030]  }
0x203: {  	v7 =	vld [tilespmem:s24+$0x7000]  }
0x204: {  	v18 =	vld [tilespmem:s24+$0x7020]  }
0x205: {  	v13 =	vld [tilespmem:s24+$0x7010];
	_ =	sdelay $0x2  }
0x206: {  	v1 =	vshrl.u32 v3, $0x10;
	v0 =	vshrl.u32 v3, $0xD  }
0x207: {  	v5 =	vshrl.u32 v3, $0x12;
	v9 =	vshrl.u32 v18, $0xD;
	v14 =	vshrl.u32 v3, $0x2  }
0x208: {  	v15 =	vshll.u32 v7, $0x3;
	v16 =	vshrl.u32 v7, $0x12;
	v17 =	vshll.u32 v13, $0x3  }
0x209: {  	v21 =	vshll.u32 v18, $0x3;
	v2 =	vand.u32 $0xF000, v1;
	v4 =	vand.u32 $0xC00, v0  }
0x20a: {  	v22 =	vshrl.u32 v18, $0x12;
	v2 =	vor.u32 v4, v2;
	v4 =	vand.u32 $0x380, v5  }
0x20b: {  	v0 =	vshrl.u32 v7, $0x10;
	v6 =	vand.u32 $0x7F, v1;
	v2 =	vor.u32 v4, v2  }
0x20c: {  	v1 =	vshrl.u32 v13, $0x10;
	v9 =	vand.u32 $0xC00, v9;
	v6 =	vor.u32 v6, v2  }
0x20d: {  	v14 =	vand.u32 $0x380, v14;
	v5 =	vshrl.u32 v7, $0xD;
	v4 =	vshrl.u32 v13, $0xD  }
0x20e: {  	v8 =	vand.u32 $0xF000, v0;
	v11 =	vand.u32 $0xC00, v4;
	v4 =	vshll.u32 v3, $0x3  }
0x20f: {  	v10 =	vand.u32 $0xF000, v1;
	v3 =	vand.u32 $0xF07F, v3;
	v4 =	vand.u32 $0xC00, v4  }
0x210: {  	v5 =	vand.u32 $0xC00, v5;
	v2 =	vshrl.u32 v18, $0x10;
	v3 =	vor.u32 v4, v3  }
0x211: {  	v12 =	vand.u32 $0xF000, v2;
	v4 =	vor.u32 v5, v8;
	v19 =	vor.u32 v14, v3;
	v20 =	vld.idx.msk [tilespmem:v6+s23+$0x0], $0xffff  }
0x212: {  	s25 =	sand.u32 $0x3000, s12;
	s26 =	sand.u32 $0x1000, s12;
	s3 =	sand.u32 $0xC00, s12;
	v5 =	vor.u32 v11, v10;
	v10 =	vand.u32 $0x380, v16;
	v8 =	vand.u32 $0xC00, v17  }
0x213: {  	s5 =	sand.u32 $0x380, s12;
	s1 =	sshrl.u32 s25, $0x2;
	s2 =	sor.u32 $0x1A000, s26;
	v16 =	vand.u32 $0xF07F, v7;
	v11 =	vshrl.u32 v13, $0x2;
	v17 =	vand.u32 $0xF07F, v13  }
0x214: {  	s22 =	simm.s32 $0x0;
	s1 =	sor.u32 s1, s2;
	s2 =	sor.u32 s3, s2;
	v14 =	vshrl.u32 v13, $0x12;
	v3 =	vor.u32 v9, v12;
	v9 =	vand.u32 $0xC00, v21  }
0x215: {  	s3 =	simm.s32 $0x0;
	s21 =	sor.u32 s5, s1;
	s13 =	sor.u32 s5, s2;
	v12 =	vshrl.u32 v7, $0x2;
	v13 =	vshrl.u32 v18, $0x2;
	v18 =	vand.u32 $0xF07F, v18  }
0x216: {  	s2 =	simm.s32 $0x40;
	s1 =	simm.s32 $0x0;
	s24 =	simm.s32 $0x0;
	v14 =	vand.u32 $0x380, v14;
	v6 =	vand.u32 $0xC00, v15;
	v15 =	vand.u32 $0x380, v22;
	v7 =	vld.idx.msk [tilespmem:v19+s23+$0x0], $0xffff;
	[tilespmem:s13+$0x70] =	vst v20  }
.LBB2_17:
0x217: {  	s5 =	sand.u32 $0xFC0, s2;
	s22 =	sadd.s32 $0x4, s22;
	v4 =	vor.u32 v10, v4;
	v5 =	vor.u32 v14, v5;
	v3 =	vor.u32 v15, v3  }
0x218: {  	v6 =	vor.u32 v6, v16;
	v8 =	vor.u32 v8, v17;
	v9 =	vor.u32 v9, v18;
	v10 =	vld [tilespmem:s5+$0x7030];
	p0 =	slt.u32 s22, $0xFC  }
0x219: {  	v12 =	vand.u32 $0x380, v12;
	v0 =	vand.u32 $0x7F, v0;
	v11 =	vand.u32 $0x380, v11;
	v16 =	vld [tilespmem:s5+$0x7000]  }
0x21a: {  	v1 =	vand.u32 $0x7F, v1;
	v13 =	vand.u32 $0x380, v13;
	v2 =	vand.u32 $0x7F, v2;
	v17 =	vld [tilespmem:s5+$0x7010]  }
0x21b: {  	v4 =	vor.u32 v0, v4;
	v5 =	vor.u32 v1, v5;
	v3 =	vor.u32 v2, v3;
	v18 =	vld [tilespmem:s5+$0x7020];
	[tilespmem:s13+$0x60] =	vst v7  }
0x21c: {  	v6 =	vor.u32 v12, v6;
	v7 =	vor.u32 v11, v8;
	v8 =	vor.u32 v13, v9  }
0x21d: {  	v1 =	vshrl.u32 v10, $0x10;
	v0 =	vshrl.u32 v10, $0xD  }
0x21e: {  	v11 =	vshrl.u32 v10, $0x12;
	v2 =	vand.u32 $0xF000, v1;
	v9 =	vand.u32 $0xC00, v0  }
0x21f: {  	v0 =	vshrl.u32 v16, $0x10;
	v2 =	vor.u32 v9, v2;
	v9 =	vand.u32 $0x380, v11  }
0x220: {  	v12 =	vand.u32 $0x7F, v1;
	v11 =	vshrl.u32 v16, $0xD;
	v2 =	vor.u32 v9, v2;
	v4 =	vld.idx.msk [tilespmem:v4+s23+$0x0], $0xffff  }
0x221: {  	v1 =	vshrl.u32 v17, $0x10;
	v9 =	vshrl.u32 v17, $0xD;
	v12 =	vor.u32 v12, v2;
	v5 =	vld.idx.msk [tilespmem:v5+s23+$0x0], $0xffff  }
0x222: {  	v13 =	vand.u32 $0xF000, v0;
	v14 =	vshrl.u32 v18, $0xD;
	v2 =	vshrl.u32 v18, $0x10;
	v3 =	vld.idx.msk [tilespmem:v3+s23+$0x0], $0xffff  }
0x223: {  	v11 =	vand.u32 $0xC00, v11;
	v15 =	vand.u32 $0xF000, v1;
	v9 =	vand.u32 $0xC00, v9;
	v6 =	vld.idx.msk [tilespmem:v6+s23+$0x0], $0xffff  }
0x224: {  	v20 =	vshll.u32 v10, $0x3;
	v14 =	vand.u32 $0xC00, v14;
	v19 =	vand.u32 $0xF000, v2;
	v7 =	vld.idx.msk [tilespmem:v7+s23+$0x0], $0xffff  }
0x225: {  	v21 =	vshrl.u32 v10, $0x2;
	v10 =	vand.u32 $0xF07F, v10;
	v20 =	vand.u32 $0xC00, v20;
	v22 =	vld.idx.msk [tilespmem:v8+s23+$0x0], $0xffff  }
0x226: {  	s12 =	sadd.s32 $0x1000, s12;
	v21 =	vand.u32 $0x380, v21;
	v10 =	vor.u32 v20, v10;
	v8 =	vshll.u32 v16, $0x3;
	v20 =	vld.idx.msk [tilespmem:v12+s23+$0x0], $0xffff;
	[tilespmem:s21+$0x10] =	vst v4  }
0x227: {  	s1 =	sadd.s32 $0x80, s1;
	s3 =	sadd.s32 $0x400, s3;
	s5 =	sand.u32 $0x3000, s12;
	v23 =	vshll.u32 v17, $0x3;
	v21 =	vor.u32 v21, v10;
	v12 =	vshrl.u32 v16, $0x12;
	[tilespmem:s13+$0x30] =	vst v5  }
0x228: {  	s24 =	sadd.s32 $0x20, s24;
	s8 =	sand.u32 $0x1000, s1;
	s5 =	sshrl.u32 s5, $0x2;
	v24 =	vshrl.u32 v17, $0x12;
	v25 =	vshll.u32 v18, $0x3;
	v26 =	vshrl.u32 v18, $0x12;
	[tilespmem:s13+$0x50] =	vst v3  }
.Ltmp7:
0x229: {  	s25 =	sand.u32 $0xC00, s3;
	s8 =	sor.u32 $0x1A000, s8;
	v4 =	vor.u32 v11, v13;
	v5 =	vor.u32 v9, v15;
	v3 =	vor.u32 v14, v19;
	[tilespmem:s21+$0x0] =	vst v6;
	(pc) =	sbr.rel @p0 .LBB2_17-.Ltmp7, $4  }
0x22a: {  	s26 =	sand.u32 $0x380, s24;
	s5 =	sor.u32 s5, s8;
	s8 =	sor.u32 s25, s8;
	v10 =	vand.u32 $0x380, v12;
	v6 =	vand.u32 $0xC00, v8;
	v8 =	vand.u32 $0xC00, v23;
	[tilespmem:s13+$0x20] =	vst v7  }
0x22b: {  	v9 =	vand.u32 $0xC00, v25;
	v15 =	vand.u32 $0x380, v26;
	v14 =	vand.u32 $0x380, v24;
	s21 =	sor.u32 s26, s5;
	[tilespmem:s13+$0x40] =	vst v22;
	s13 =	sor.u32 s26, s8  }
0x22c: {  	v11 =	vshrl.u32 v17, $0x2;
	v12 =	vshrl.u32 v16, $0x2;
	v16 =	vand.u32 $0xF07F, v16;
	v7 =	vld.idx.msk [tilespmem:v21+s23+$0x0], $0xffff;
	[tilespmem:s13+$0x70] =	vst v20  }
0x22d: {  	s2 =	sadd.s32 $0x40, s2;
	v17 =	vand.u32 $0xF07F, v17;
	v13 =	vshrl.u32 v18, $0x2;
	v18 =	vand.u32 $0xF07F, v18  }
0x22e: {  	v4 =	vor.u32 v10, v4;
	v0 =	vand.u32 $0x7F, v0  }
0x22f: {  	v5 =	vor.u32 v14, v5;
	v1 =	vand.u32 $0x7F, v1;
	v0 =	vor.u32 v0, v4  }
0x230: {  	v3 =	vor.u32 v15, v3;
	v2 =	vand.u32 $0x7F, v2;
	v1 =	vor.u32 v1, v5  }
0x231: {  	v58 =	vor.u32 v6, v16;
	v59 =	vand.u32 $0x380, v12;
	v2 =	vor.u32 v2, v3  }
0x232: {  	v60 =	vor.u32 v8, v17;
	v61 =	vand.u32 $0x380, v11;
	v4 =	vor.u32 v59, v58  }
0x233: {  	v62 =	vor.u32 v9, v18;
	v63 =	vand.u32 $0x380, v13;
	v3 =	vor.u32 v61, v60  }
0x234: {  	v5 =	vor.u32 v63, v62;
	v0 =	vld.idx.msk [tilespmem:v0+s23+$0x0], $0xffff  }
0x235: {  	v1 =	vld.idx.msk [tilespmem:v1+s23+$0x0], $0xffff  }
0x236: {  	v2 =	vld.idx.msk [tilespmem:v2+s23+$0x0], $0xffff  }
0x237: {  	v4 =	vld.idx.msk [tilespmem:v4+s23+$0x0], $0xffff  }
0x238: {  	[tilespmem:s13+$0x60] =	vst v7;
	v3 =	vld.idx.msk [tilespmem:v3+s23+$0x0], $0xffff  }
0x239: {  	v5 =	vld.idx.msk [tilespmem:v5+s23+$0x0], $0xffff;
	[tilespmem:s21+$0x10] =	vst v0  }
0x23a: {  	[tilespmem:s13+$0x30] =	vst v1  }
0x23b: {  	s6 =	sadd.s32 $0x1, s6;
	[tilespmem:s13+$0x50] =	vst v2  }
0x23c: {  	p0 =	sne.s32 s6, $0x10;
	[tilespmem:s21+$0x0] =	vst v4  }
.Ltmp8:
0x23d: {  	[tilespmem:s13+$0x20] =	vst v3;
	(pc) =	sbr.rel @p0 .LBB2_2-.Ltmp8, $4  }
0x23e: {  	s1 =	sadd.s32 s7, s20;
	[tilespmem:s13+$0x40] =	vst v5  }
0x23f: {  	[hbm4b:s1+s4] =	stream.linear.scatter [tilespmem:s30], [sflag:$0x2], $0x2000, $0x38;
	[tilespmem:$0x1C000] =	vst v63  }
0x240: {  	s26 =	sadd.s32 s9, s15;
	s2 =	simm.s32 $0x14000  }
0x241: {  	[tilespmem:s2], [sflag:$0x3] =	stream.linear.gather [hbm4b:s26+s4], $0x4000, $0x38;
	[tilespmem:$0x1C000] =	vst v63  }
0x242: {  	_ =	swait.ge [sflag:s31], $0x2000  }
0x243: {  	[sflag:s31] =	ssyncset.done $0x0  }
0x244: {  	[sflag:s31] =	ssyncadd.s32 $0xFFFFE000  }
0x245: {  	_ =	swait.ge [sflag:s0], $0x2000  }
0x246: {  	[sflag:s0] =	ssyncset.done $0x0  }
0x247: {  	[sflag:s0] =	ssyncadd.s32 $0xFFFFE000  }
0x248: {  	_ =	swait.ge [sflag:s28], $0x4000  }
0x249: {  	[sflag:s28] =	ssyncset.done $0x0  }
0x24a: {  	[sflag:s28] =	ssyncadd.s32 $0xFFFFC000  }
0x24b: {  	_ =	swait.ge [sflag:s28], $0x4000  }
0x24c: {  	[sflag:s28] =	ssyncset.done $0x0  }
0x24d: {  	[sflag:s28] =	ssyncadd.s32 $0xFFFFC000  }
0x24e: {  	_ =	swait.ge [sflag:s28], $0x4000  }
0x24f: {  	[sflag:s28] =	ssyncset.done $0x0  }
0x250: {  	[sflag:s28] =	ssyncadd.s32 $0xFFFFC000  }
0x251: {  	_ =	swait.ge [sflag:s28], $0x4000  }
0x252: {  	s2 =	rddreg [dreg:$0xc]  }
0x253: {  	s1 =	rddreg [dreg:$0xb];
	s2 =	sadd.s32 $0x1, s2  }
0x254: {  	p0 =	sne.s32 s2, s1  }
.Ltmp9:
0x255: {  	_ = 	snop;
	(pc) =	sbr.rel @p0 .LBB2_1-.Ltmp9, $3  }
0x256: {  	_ =	sdelay $0x1  }
0x257: {  	[sflag:s28] =	ssyncset.done $0x0  }
0x258: {  	[sflag:s28] =	ssyncadd.s32 $0xFFFFC000  }
0x259: {  	_ =	sfence.sel $0x180000  }
0x25a: {  	[bflag:$0x0] =	sbarrier.arrive $0xFFFF  }
0x25b: {  	_ =	strace $0x90000047  }
0x25c: {  	s0 =	stileid.u32;
	[bflag:$0x2] =	sbarrier.arrive $0xFFFF  }
0x25d: {  	p0 =	sne.s32 s0, $0x0;
	s0 =	rddreg [dreg:$0x3]  }
0x25e: {  	s0 =	sadd.s32 @!p0 $0x100000, s0  }
0x25f: {  	[sflag:s0] =	ssyncadd.tile.s32 @!p0 $0x1;
	_ =	shalt  }
.Lfunc_end2:
_tile_overlayer_lowered:
.L_overlay_start_2:
0x260: {  	(tag) =	ssettag $0x2  }
0x261: {  	s0 =	rddreg [dreg:$0x0];
	s2 =	stileid.u32  }
0x262: {  	s1 =	rddreg [dreg:$0x1];
	p0 =	sne.s32 s2, $0x0  }
0x263: {  	s3 =	rddreg [dreg:$0x2];
	[bflag:$0x3] =	sbarrier.arrive $0xFFFF;
	s2 =	simm.s32 @!p0 $0x1C04  }
0x264: {  	[timem:s3], [sflag:s2] =	dma.local @!p0 [hbm:s0], s1  }
0x265: {  	s0 =	simm.s32 @!p0 $0x4  }
0x266: {  	_ =	swait.ge @!p0 [sflag:s0], s1  }
0x267: {  	s1 =	ssub.s32 @!p0 $0x0, s1;
	[sflag:s0] =	ssyncset.done @!p0 $0x0  }
0x268: {  	[sflag:s0] =	ssyncadd.s32 @!p0 s1  }
0x269: {  	[bflag:$0x3] =	sbarrier.arrive $0xFFFF  }
0x26a: {  	_ =	shalt  }

</sc_bundles>
